<compile_context>
chip_gen: v7x
topology: tpu7x:2x2x1
jax: 0.10.2.dev20260603
libtpu: 0.0.44.dev20260713+nightly
codegen_flags: <defaults>
</compile_context>

<pallas_src>
import functools
import jax
import jax.numpy as jnp
from jax import lax
from jax.experimental import pallas as pl
from jax.experimental.pallas import tpu as pltpu
from jax.experimental.pallas import tpu_sc as plsc

_NC = 2
_NS = 16
_L = 16
_NW = _NC * _NS



def _fps_body(x_ref, o_ref, *, npoint):
    B, _, N = x_ref.shape
    x0 = x_ref[:, 0, :]
    x1 = x_ref[:, 1, :]
    x2 = x_ref[:, 2, :]
    iota_n = lax.broadcasted_iota(jnp.int32, (B, N), 1)
    iota_s = lax.broadcasted_iota(jnp.int32, (B, npoint), 1)

    def step(i, carry):
        mind, far, o0, o1, o2 = carry
        oh = (iota_n == far).astype(jnp.float32)
        c0 = jnp.sum(x0 * oh, axis=1, keepdims=True)
        c1 = jnp.sum(x1 * oh, axis=1, keepdims=True)
        c2 = jnp.sum(x2 * oh, axis=1, keepdims=True)
        d0 = (x0 - c0) ** 2
        d1 = (x1 - c1) ** 2
        d2 = (x2 - c2) ** 2
        dist = (d0 + d1) + d2
        mind = jnp.minimum(mind, dist)
        m = jnp.max(mind, axis=1, keepdims=True)
        far_new = jnp.min(jnp.where(mind == m, iota_n, N), axis=1, keepdims=True)
        ohs = (iota_s == i).astype(jnp.float32)
        o0 = o0 + c0 * ohs
        o1 = o1 + c1 * ohs
        o2 = o2 + c2 * ohs
        return (mind, far_new, o0, o1, o2)

    zero_s = jnp.zeros((B, npoint), jnp.float32)
    init = (
        jnp.full((B, N), 1e10, jnp.float32),
        jnp.zeros((B, 1), jnp.int32),
        zero_s, zero_s, zero_s,
    )
    mind, far, o0, o1, o2 = lax.fori_loop(0, npoint, step, init)
    o_ref[:, 0, :] = o0
    o_ref[:, 1, :] = o1
    o_ref[:, 2, :] = o2


def _fps_pallas(xyz_cn, npoint):
    B, _, N = xyz_cn.shape
    return pl.pallas_call(
        functools.partial(_fps_body, npoint=npoint),
        out_shape=jax.ShapeDtypeStruct((B, 3, npoint), jnp.float32),
    )(xyz_cn)



def _mask_body(x_ref, s_ref, o_ref, *, r2):
    x = x_ref[0]
    s = s_ref[0]
    x0 = x[0:1, :]
    x1 = x[1:2, :]
    x2 = x[2:3, :]
    s0 = s[:, 0:1]
    s1 = s[:, 1:2]
    s2 = s[:, 2:3]
    xx = (x0 * x0 + x1 * x1) + x2 * x2
    ss = (s0 * s0 + s1 * s1) + s2 * s2
    cross = jnp.dot(s, x, preferred_element_type=jnp.float32)
    sq = (ss + xx) - 2.0 * cross
    o_ref[...] = (sq <= r2).astype(jnp.float32)


def _mask_pallas(xyz_cn, new_xyz_t, radius):
    B, _, N = xyz_cn.shape
    S = new_xyz_t.shape[1]
    SBLK = min(S, 256)
    nsb = S // SBLK
    return pl.pallas_call(
        functools.partial(_mask_body, r2=radius ** 2),
        grid=(B, nsb),
        in_specs=[
            pl.BlockSpec((1, 3, N), lambda b, sb: (b, 0, 0)),
            pl.BlockSpec((1, SBLK, 3), lambda b, sb: (b, sb, 0)),
        ],
        out_specs=pl.BlockSpec((SBLK, N), lambda b, sb: (b * nsb + sb, 0)),
        out_shape=jax.ShapeDtypeStruct((B * S, N), jnp.float32),
    )(xyz_cn, new_xyz_t)



def _compact_pallas(mask, S, N, nsample):
    R = mask.shape[0]
    r_pw = R // _NW
    mesh = plsc.VectorSubcoreMesh(core_axis_name="c", subcore_axis_name="s")

    @functools.partial(
        pl.kernel, mesh=mesh,
        out_type=jax.ShapeDtypeStruct((R, nsample), jnp.int32),
        scratch_types=[
            pltpu.VMEM((N,), jnp.float32),
            pltpu.VMEM((64,), jnp.int32),
            pltpu.VMEM((r_pw, nsample), jnp.int32),
        ],
        compiler_params=pltpu.CompilerParams(use_tc_tiling_on_sc=False,
                                             needs_layout_passes=False),
    )
    def k(mask_hbm, idx_hbm, mrow_v, buf_v, out_v):
        wid = lax.axis_index("s") * _NC + lax.axis_index("c")
        base = wid * r_pw
        iota = lax.iota(jnp.int32, 16)
        zeros16 = jnp.zeros((16,), jnp.int32)

        def row_body(j, _):
            r = base + j
            pltpu.sync_copy(mask_hbm.at[r], mrow_v)

            def body(g, wp):
                mv = mrow_v[pl.ds(g * _L, _L)]
                msk = jnp.logical_and(mv > 0.0, wp < nsample)
                mi = msk.astype(jnp.int32)
                pos = jnp.cumsum(mi)
                tgt = jnp.where(msk, wp + pos - 1, 63)
                plsc.store_scatter(buf_v, [tgt], iota + g * _L)
                return wp + jnp.sum(mi)

            wp = lax.fori_loop(0, N // _L, body, jnp.int32(0))
            count = jnp.minimum(wp, nsample)
            first = plsc.load_gather(buf_v, [zeros16])
            boff = (r // S) * N
            for t in range(nsample // _L):
                sl = buf_v[pl.ds(t * _L, _L)]
                io = iota + t * _L
                out_v[j, pl.ds(t * _L, _L)] = jnp.where(io < count, sl, first) + boff
            return 0

        lax.fori_loop(0, r_pw, row_body, 0)
        pltpu.sync_copy(out_v, idx_hbm.at[pl.ds(base, r_pw)])

    return k(mask).reshape(R * nsample)



def _gather_pallas(table, flat_idx):
    M = flat_idx.shape[0]
    Cp = table.shape[1]
    m_pw = M // _NW
    CH = min(128, m_pw)
    nch = m_pw // CH
    mesh = plsc.VectorSubcoreMesh(core_axis_name="c", subcore_axis_name="s")

    @functools.partial(
        pl.kernel, mesh=mesh,
        out_type=jax.ShapeDtypeStruct((M, Cp), jnp.float32),
        scratch_types=[
            pltpu.VMEM((CH,), jnp.int32),
            pltpu.VMEM((CH, Cp), jnp.float32),
            pltpu.SemaphoreType.DMA,
        ],
        compiler_params=pltpu.CompilerParams(use_tc_tiling_on_sc=False,
                                             needs_layout_passes=False),
    )
    def k(table_hbm, idx_hbm, out_hbm, idx_v, rows_v, sem):
        wid = lax.axis_index("s") * _NC + lax.axis_index("c")
        base = wid * m_pw

        def chunk(kk, _):
            off = base + kk * CH
            pltpu.sync_copy(idx_hbm.at[pl.ds(off, CH)], idx_v)
            pltpu.async_copy(table_hbm.at[idx_v], rows_v, sem).wait()
            pltpu.sync_copy(rows_v, out_hbm.at[pl.ds(off, CH)])
            return 0

        lax.fori_loop(0, nch, chunk, 0)

    return k(table, flat_idx)




_BLK = 1024


def _mm_body(x_ref, c_ref, wt_ref, b_ref, y_ref, st_ref, *, mode):
    if mode == "first":
        x = x_ref[...] - c_ref[...]
    else:
        x = jnp.maximum(x_ref[...] * c_ref[0:1, :] + c_ref[4:5, :], 0.0)
    y = jnp.dot(x, wt_ref[...], preferred_element_type=jnp.float32) + b_ref[0:1, :]
    y_ref[...] = y
    st_ref[0, 0:1, :] = jnp.sum(y, axis=0, keepdims=True)
    st_ref[0, 1:2, :] = jnp.sum(y * y, axis=0, keepdims=True)


def _mm_pallas(x, c, wt, b, mode):
    P, Ci = x.shape
    Co = wt.shape[1]
    nblk = P // _BLK
    if mode == "first":
        c_spec = pl.BlockSpec((_BLK, Ci), lambda i: (i, 0))
    else:
        c_spec = pl.BlockSpec((8, Ci), lambda i: (0, 0))
    y, st = pl.pallas_call(
        functools.partial(_mm_body, mode=mode),
        grid=(nblk,),
        in_specs=[
            pl.BlockSpec((_BLK, Ci), lambda i: (i, 0)),
            c_spec,
            pl.BlockSpec((Ci, Co), lambda i: (0, 0)),
            pl.BlockSpec((8, Co), lambda i: (0, 0)),
        ],
        out_specs=[
            pl.BlockSpec((_BLK, Co), lambda i: (i, 0)),
            pl.BlockSpec((1, 2, Co), lambda i: (i, 0, 0)),
        ],
        out_shape=[
            jax.ShapeDtypeStruct((P, Co), jnp.float32),
            jax.ShapeDtypeStruct((nblk, 2, Co), jnp.float32),
        ],
    )(x, c, wt, b)
    return y, jnp.sum(st, axis=0)


def _pool_body(x_ref, c_ref, o_ref, *, ns, C):
    f = jnp.maximum(x_ref[...] * c_ref[0:1, :] + c_ref[4:5, :], 0.0)
    acc = f[:, 0:C]
    for k in range(1, ns):
        acc = jnp.maximum(acc, f[:, k * C:(k + 1) * C])
    o_ref[...] = acc


def _pool_pallas(x, c, ns):
    G, W = x.shape
    C = W // ns
    BLK2 = min(G, 256)
    return pl.pallas_call(
        functools.partial(_pool_body, ns=ns, C=C),
        grid=(G // BLK2,),
        in_specs=[
            pl.BlockSpec((BLK2, W), lambda i: (i, 0)),
            pl.BlockSpec((8, W), lambda i: (0, 0)),
        ],
        out_specs=pl.BlockSpec((BLK2, C), lambda i: (i, 0)),
        out_shape=jax.ShapeDtypeStruct((G, C), jnp.float32),
    )(x, c)


def _bn_coeffs(st, P, gamma, beta, reps=1):
    mean = st[0] / P
    var = st[1] / P - mean * mean
    scale = gamma / jnp.sqrt(var + 1e-5)
    shift = beta - mean * scale
    scale = jnp.tile(scale, reps)
    shift = jnp.tile(shift, reps)
    return jnp.concatenate([jnp.broadcast_to(scale[None, :], (4, scale.shape[0])),
                            jnp.broadcast_to(shift[None, :], (4, shift.shape[0]))], axis=0)


def _row8(v):
    return jnp.broadcast_to(v[None, :], (8, v.shape[0]))


def mlp_chain(g, ce, layer_params, ns):
    P = g.shape[0]
    Cp = g.shape[1]
    (W1, b1, g1, be1), (W2, b2, g2, be2), (W3, b3, g3, be3) = layer_params
    w1t = jnp.zeros((Cp, W1.shape[0]), jnp.float32).at[: W1.shape[1], :].set(W1.T)
    y1, st1 = _mm_pallas(g, ce, w1t, _row8(b1), "first")
    c1 = _bn_coeffs(st1, P, g1, be1)
    y2, st2 = _mm_pallas(y1, c1, W2.T, _row8(b2), "mid")
    c2 = _bn_coeffs(st2, P, g2, be2)
    y3, st3 = _mm_pallas(y2, c2, W3.T, _row8(b3), "mid")
    C3 = y3.shape[1]
    c3 = _bn_coeffs(st3, P, g3, be3, reps=ns)
    return _pool_pallas(y3.reshape(P // ns, ns * C3), c3, ns)



def _pad_cols(x, cp):
    pad = cp - x.shape[-1]
    if pad == 0:
        return x
    return jnp.concatenate([x, jnp.zeros(x.shape[:-1] + (pad,), x.dtype)], axis=-1)


def _set_abstraction(xyz, points, npoint, radius, nsample, layer_params):
    B, _, N = xyz.shape
    D = points.shape[1]
    S = npoint
    new_xyz_cn = _fps_pallas(xyz, npoint)
    new_xyz_t = jnp.transpose(new_xyz_cn, (0, 2, 1))

    xyz_tt = jnp.transpose(xyz, (0, 2, 1))
    sqd = (jnp.sum(new_xyz_t ** 2, axis=-1)[..., None]
           + jnp.sum(xyz_tt ** 2, axis=-1)[..., None, :]
           - 2.0 * jnp.matmul(new_xyz_t, jnp.transpose(xyz_tt, (0, 2, 1))))
    mask = (sqd <= radius ** 2).astype(jnp.float32).reshape(B * S, N)
    key = jnp.where(mask > 0, jnp.broadcast_to(jnp.arange(N, dtype=jnp.int32), mask.shape), N)
    key = jnp.sort(key, axis=-1)[:, :nsample]
    first = key[:, 0:1]
    key = jnp.where(key == N, first, key)
    boff = (jnp.arange(B * S, dtype=jnp.int32) // S * N)[:, None]
    flat_idx = (key + boff).reshape(B * S * nsample)

    Craw = 3 + D
    Cp = ((Craw + _L - 1) // _L) * _L
    xyz_t = jnp.transpose(xyz, (0, 2, 1))
    pts_t = jnp.transpose(points, (0, 2, 1))
    table = _pad_cols(jnp.concatenate([xyz_t, pts_t], axis=-1), Cp)
    table = table.reshape(B * N, Cp)

    g = jnp.take(table, flat_idx, axis=0)

    ce = jnp.concatenate(
        [new_xyz_t.reshape(B * S, 3), jnp.zeros((B * S, Cp - 3), jnp.float32)],
        axis=-1)
    ce_exp = jnp.repeat(ce, nsample, axis=0)
    pooled = mlp_chain(g.reshape(B * S * nsample, Cp), ce_exp, layer_params,
                       nsample)
    new_points_out = jnp.transpose(pooled.reshape(B, S, -1), (0, 2, 1))
    return new_xyz_cn, new_points_out


def kernel(xyz, params):
    l0_points = xyz
    l0_xyz = xyz[:, :3, :]
    l1_xyz, l1_points = _set_abstraction(l0_xyz, l0_points, 1024, 0.1, 32, params['sa1'])
    l2_xyz, l2_points = _set_abstraction(l1_xyz, l1_points, 256, 0.2, 32, params['sa2'])
    l3_xyz, l3_points = _set_abstraction(l2_xyz, l2_points, 64, 0.4, 32, params['sa3'])
    l4_xyz, l4_points = _set_abstraction(l3_xyz, l3_points, 16, 0.8, 32, params['sa4'])
    return (l4_xyz, l4_points)

# --- scband reference (transcript-rebuilt; emitter-appended) ---
"""Pipeline reference for scband-point-net2-encoder-35880156791485 (READ-ONLY COPY).

The authoritative reference and input builder live on the scoring server;
editing this copy changes nothing except your own understanding.
"""

import jax, jax.numpy as jnp
import numpy as np


def square_distance(src, dst):
    return jnp.sum(src ** 2, axis=-1)[..., None] + jnp.sum(dst ** 2, axis=-1)[..., None, :] - 2.0 * jnp.matmul(src, jnp.transpose(dst, (0, 2, 1)))


def index_points(points, idx):
    return jax.vmap(lambda p, i: p[i])(points, idx)


def farthest_point_sample(xyz, npoint):
    B, N, _ = xyz.shape

    def step(carry, _):
        distance, farthest = carry
        centroid = xyz[jnp.arange(B), farthest, :][:, None, :]
        dist = jnp.sum((xyz - centroid) ** 2, axis=-1)
        distance = jnp.minimum(distance, dist)
        new_far = jnp.argmax(distance, axis=-1).astype(jnp.int32)
        return (distance, new_far), farthest

    init = (jnp.full((B, N), 1e10, dtype=xyz.dtype), jnp.zeros((B,), jnp.int32))
    _, cent = jax.lax.scan(step, init, None, length=npoint)
    return jnp.transpose(cent, (1, 0))


def query_ball_point(radius, nsample, xyz, new_xyz):
    B, N, _ = xyz.shape
    S = new_xyz.shape[1]
    sqrdists = square_distance(new_xyz, xyz)
    group_idx = jnp.broadcast_to(jnp.arange(N, dtype=jnp.int32), (B, S, N))
    group_idx = jnp.where(sqrdists > radius ** 2, N, group_idx)
    group_idx = jnp.sort(group_idx, axis=-1)[:, :, :nsample]
    group_first = group_idx[:, :, 0:1]
    group_idx = jnp.where(group_idx == N, jnp.broadcast_to(group_first, group_idx.shape), group_idx)
    return group_idx


def set_abstraction(xyz, points, npoint, radius, nsample, layer_params):
    # xyz: [B, 3, N], points: [B, D, N]
    xyz_t = jnp.transpose(xyz, (0, 2, 1))
    points_t = jnp.transpose(points, (0, 2, 1))
    fps_idx = farthest_point_sample(jax.lax.stop_gradient(xyz_t), npoint)
    new_xyz = index_points(xyz_t, fps_idx)
    idx = query_ball_point(radius, nsample, xyz_t, new_xyz)
    grouped_xyz = index_points(xyz_t, idx)
    grouped_xyz_norm = grouped_xyz - new_xyz[:, :, None, :]
    grouped_points = index_points(points_t, idx)
    new_points = jnp.concatenate([grouped_xyz_norm, grouped_points], axis=-1)
    x = jnp.transpose(new_points, (0, 3, 2, 1))  # [B, C, nsample, npoint]
    for (W, b, gamma, beta) in layer_params:
        x = jnp.einsum('oc,bcns->bons', W, x) + b[None, :, None, None]
        mean = jnp.mean(x, axis=(0, 2, 3), keepdims=True)
        var = jnp.var(x, axis=(0, 2, 3), keepdims=True)
        x = (x - mean) / jnp.sqrt(var + 1e-5)
        x = gamma[None, :, None, None] * x + beta[None, :, None, None]
        x = jax.nn.relu(x)
    new_points_out = jnp.max(x, axis=2)
    new_xyz_out = jnp.transpose(new_xyz, (0, 2, 1))
    return new_xyz_out, new_points_out


def _make_sa_params(key, in_ch, mlp):
    params = []
    c = in_ch
    for out in mlp:
        key, k1 = jax.random.split(key)
        W = jax.random.normal(k1, (out, c), dtype=jnp.float32) * (1.0 / np.sqrt(c))
        params.append((W, jnp.zeros((out,), jnp.float32), jnp.ones((out,), jnp.float32), jnp.zeros((out,), jnp.float32)))
        c = out
    return params


def setup_inputs(seed: int = 0) -> dict:
    key = jax.random.key(seed)
    kx, k1, k2, k3, k4 = jax.random.split(key, 5)
    xyz = jax.random.uniform(kx, (8, 6, 4096), dtype=jnp.float32)
    params = {
        'sa1': _make_sa_params(k1, 9, [32, 32, 64]),
        'sa2': _make_sa_params(k2, 67, [64, 64, 128]),
        'sa3': _make_sa_params(k3, 131, [128, 128, 256]),
        'sa4': _make_sa_params(k4, 259, [256, 256, 512]),
    }
    return {'xyz': xyz, 'params': params}


def reference(xyz, params):
    l0_points = xyz
    l0_xyz = xyz[:, :3, :]
    l1_xyz, l1_points = set_abstraction(l0_xyz, l0_points, 1024, 0.1, 32, params['sa1'])
    l2_xyz, l2_points = set_abstraction(l1_xyz, l1_points, 256, 0.2, 32, params['sa2'])
    l3_xyz, l3_points = set_abstraction(l2_xyz, l2_points, 64, 0.4, 32, params['sa3'])
    l4_xyz, l4_points = set_abstraction(l3_xyz, l3_points, 16, 0.8, 32, params['sa4'])
    return (l4_xyz, l4_points)

if __name__ == "__main__":
    import jax
    _d = setup_inputs()
    print(jax.jit(kernel)(*tuple(_d.values())))

</pallas_src>

<mosaic_0001>
module attributes {stable_mosaic.version = 14 : i64} {
  func.func @_fps_body(%arg0: memref<8x3x4096xf32, #tpu.memory_space<vmem>>, %arg1: memref<8x3x1024xf32, #tpu.memory_space<vmem>>) attributes {dimension_semantics = [], scalar_prefetch = 0 : i64, scratch_operands = 0 : i64, tpu.core_type = #tpu.core_type<tc>} {
    %get3A = arith.constant 0 : index
    %get3A_0 = arith.constant 0 : index
    %get3A_1 = arith.constant 0 : index
    %get3A_2 = vector.load %arg0[%get3A, %get3A_0, %get3A_1] : memref<8x3x4096xf32, #tpu.memory_space<vmem>>, vector<8x1x4096xf32>
    %get3A_3 = vector.shape_cast %get3A_2 : vector<8x1x4096xf32> to vector<8x4096xf32>
    %get3A_4 = arith.constant 0 : index
    %get3A_5 = arith.constant 1 : index
    %get3A_6 = arith.constant 0 : index
    %get3A_7 = vector.load %arg0[%get3A_4, %get3A_5, %get3A_6] : memref<8x3x4096xf32, #tpu.memory_space<vmem>>, vector<8x1x4096xf32>
    %get3A_8 = vector.shape_cast %get3A_7 : vector<8x1x4096xf32> to vector<8x4096xf32>
    %get3A_9 = arith.constant 0 : index
    %get3A_10 = arith.constant 2 : index
    %get3A_11 = arith.constant 0 : index
    %get3A_12 = vector.load %arg0[%get3A_9, %get3A_10, %get3A_11] : memref<8x3x4096xf32, #tpu.memory_space<vmem>>, vector<8x1x4096xf32>
    %get3A_13 = vector.shape_cast %get3A_12 : vector<8x1x4096xf32> to vector<8x4096xf32>
    %iota3A = tpu.iota {dimensions = array<i32: 1>} : vector<8x4096xi32>
    %iota3A_14 = tpu.iota {dimensions = array<i32: 1>} : vector<8x1024xi32>
    %broadcast_in_dim3A = arith.constant 0.000000e+00 : f32
    %broadcast_in_dim3A_15 = vector.broadcast %broadcast_in_dim3A : f32 to vector<8x1024xf32>
    %broadcast_in_dim3A_16 = arith.constant 1.000000e+10 : f32
    %broadcast_in_dim3A_17 = vector.broadcast %broadcast_in_dim3A_16 : f32 to vector<8x4096xf32>
    %broadcast_in_dim3A_18 = arith.constant 0 : i32
    %broadcast_in_dim3A_19 = vector.broadcast %broadcast_in_dim3A_18 : i32 to vector<8x1xi32>
    %scan3A = arith.constant 0 : i32
    %scan3A_20 = arith.constant 1024 : i32
    %scan3A_21 = arith.addi %scan3A, %scan3A_20 : i32
    %scan3A_22 = arith.constant 1 : i32
    %scan3A_23:5 = scf.for %scan3A_42 = %scan3A to %scan3A_21 step %scan3A_22 iter_args(%scan3A_43 = %broadcast_in_dim3A_17, %scan3A_44 = %broadcast_in_dim3A_19, %scan3A_45 = %broadcast_in_dim3A_15, %scan3A_46 = %broadcast_in_dim3A_15, %scan3A_47 = %broadcast_in_dim3A_15) -> (vector<8x4096xf32>, vector<8x1xi32>, vector<8x1024xf32>, vector<8x1024xf32>, vector<8x1024xf32>)  : i32 {
      %eq3A = vector.broadcast %scan3A_44 : vector<8x1xi32> to vector<8x4096xi32>
      %eq3A_48 = arith.cmpi eq, %iota3A, %eq3A : vector<8x4096xi32>
      %convert_element_type3A = arith.extui %eq3A_48 : vector<8x4096xi1> to vector<8x4096xi32>
      %convert_element_type3A_49 = arith.sitofp %convert_element_type3A : vector<8x4096xi32> to vector<8x4096xf32>
      %mul3A = arith.mulf %get3A_3, %convert_element_type3A_49 : vector<8x4096xf32>
      %reduce_sum3A = arith.constant dense<0.000000e+00> : vector<8xf32>
      %reduce_sum3A_50 = vector.multi_reduction <add>, %mul3A, %reduce_sum3A [1] : vector<8x4096xf32> to vector<8xf32>
      %broadcast_in_dim3A_51 = vector.shape_cast %reduce_sum3A_50 : vector<8xf32> to vector<8x1xf32>
      %mul3A_52 = arith.mulf %get3A_8, %convert_element_type3A_49 : vector<8x4096xf32>
      %reduce_sum3A_53 = arith.constant dense<0.000000e+00> : vector<8xf32>
      %reduce_sum3A_54 = vector.multi_reduction <add>, %mul3A_52, %reduce_sum3A_53 [1] : vector<8x4096xf32> to vector<8xf32>
      %broadcast_in_dim3A_55 = vector.shape_cast %reduce_sum3A_54 : vector<8xf32> to vector<8x1xf32>
      %mul3A_56 = arith.mulf %get3A_13, %convert_element_type3A_49 : vector<8x4096xf32>
      %reduce_sum3A_57 = arith.constant dense<0.000000e+00> : vector<8xf32>
      %reduce_sum3A_58 = vector.multi_reduction <add>, %mul3A_56, %reduce_sum3A_57 [1] : vector<8x4096xf32> to vector<8xf32>
      %broadcast_in_dim3A_59 = vector.shape_cast %reduce_sum3A_58 : vector<8xf32> to vector<8x1xf32>
      %sub3A = vector.broadcast %broadcast_in_dim3A_51 : vector<8x1xf32> to vector<8x4096xf32>
      %sub3A_60 = arith.subf %get3A_3, %sub3A : vector<8x4096xf32>
      %integer_pow3A = arith.mulf %sub3A_60, %sub3A_60 : vector<8x4096xf32>
      %sub3A_61 = vector.broadcast %broadcast_in_dim3A_55 : vector<8x1xf32> to vector<8x4096xf32>
      %sub3A_62 = arith.subf %get3A_8, %sub3A_61 : vector<8x4096xf32>
      %integer_pow3A_63 = arith.mulf %sub3A_62, %sub3A_62 : vector<8x4096xf32>
      %sub3A_64 = vector.broadcast %broadcast_in_dim3A_59 : vector<8x1xf32> to vector<8x4096xf32>
      %sub3A_65 = arith.subf %get3A_13, %sub3A_64 : vector<8x4096xf32>
      %integer_pow3A_66 = arith.mulf %sub3A_65, %sub3A_65 : vector<8x4096xf32>
      %add3A = arith.addf %integer_pow3A, %integer_pow3A_63 : vector<8x4096xf32>
      %add3A_67 = arith.addf %add3A, %integer_pow3A_66 : vector<8x4096xf32>
      %min3A = arith.minimumf %scan3A_43, %add3A_67 : vector<8x4096xf32>
      %reduce_max3A = arith.constant dense<0xFF800000> : vector<8xf32>
      %reduce_max3A_68 = vector.multi_reduction <maximumf>, %min3A, %reduce_max3A [1] : vector<8x4096xf32> to vector<8xf32>
      %broadcast_in_dim3A_69 = vector.shape_cast %reduce_max3A_68 : vector<8xf32> to vector<8x1xf32>
      %eq3A_70 = vector.broadcast %broadcast_in_dim3A_69 : vector<8x1xf32> to vector<8x4096xf32>
      %eq3A_71 = arith.cmpf oeq, %min3A, %eq3A_70 : vector<8x4096xf32>
      %jit3A = arith.constant 4096 : i32
      %broadcast_in_dim3A_72 = vector.broadcast %jit3A : i32 to vector<8x4096xi32>
      %select_n3A = arith.select %eq3A_71, %iota3A, %broadcast_in_dim3A_72 : vector<8x4096xi1>, vector<8x4096xi32>
      %reduce_min3A = arith.constant dense<2147483647> : vector<8xi32>
      %reduce_min3A_73 = vector.multi_reduction <minsi>, %select_n3A, %reduce_min3A [1] : vector<8x4096xi32> to vector<8xi32>
      %broadcast_in_dim3A_74 = vector.shape_cast %reduce_min3A_73 : vector<8xi32> to vector<8x1xi32>
      %eq3A_75 = vector.broadcast %scan3A_42 : i32 to vector<8x1024xi32>
      %eq3A_76 = arith.cmpi eq, %iota3A_14, %eq3A_75 : vector<8x1024xi32>
      %convert_element_type3A_77 = arith.extui %eq3A_76 : vector<8x1024xi1> to vector<8x1024xi32>
      %convert_element_type3A_78 = arith.sitofp %convert_element_type3A_77 : vector<8x1024xi32> to vector<8x1024xf32>
      %mul3A_79 = vector.broadcast %broadcast_in_dim3A_51 : vector<8x1xf32> to vector<8x1024xf32>
      %mul3A_80 = arith.mulf %mul3A_79, %convert_element_type3A_78 : vector<8x1024xf32>
      %add3A_81 = arith.addf %scan3A_45, %mul3A_80 : vector<8x1024xf32>
      %mul3A_82 = vector.broadcast %broadcast_in_dim3A_55 : vector<8x1xf32> to vector<8x1024xf32>
      %mul3A_83 = arith.mulf %mul3A_82, %convert_element_type3A_78 : vector<8x1024xf32>
      %add3A_84 = arith.addf %scan3A_46, %mul3A_83 : vector<8x1024xf32>
      %mul3A_85 = vector.broadcast %broadcast_in_dim3A_59 : vector<8x1xf32> to vector<8x1024xf32>
      %mul3A_86 = arith.mulf %mul3A_85, %convert_element_type3A_78 : vector<8x1024xf32>
      %add3A_87 = arith.addf %scan3A_47, %mul3A_86 : vector<8x1024xf32>
      scf.yield %min3A, %broadcast_in_dim3A_74, %add3A_81, %add3A_84, %add3A_87 : vector<8x4096xf32>, vector<8x1xi32>, vector<8x1024xf32>, vector<8x1024xf32>, vector<8x1024xf32>
    }
    %scan3A_24 = arith.constant 1024 : i32
    %swap3A = arith.constant 0 : index
    %swap3A_25 = arith.constant 0 : index
    %swap3A_26 = arith.constant 0 : index
    %swap3A_27 = vector.load %arg1[%swap3A, %swap3A_25, %swap3A_26] : memref<8x3x1024xf32, #tpu.memory_space<vmem>>, vector<8x1x1024xf32>
    %swap3A_28 = vector.shape_cast %swap3A_27 : vector<8x1x1024xf32> to vector<8x1024xf32>
    %swap3A_29 = vector.shape_cast %scan3A_23#2 : vector<8x1024xf32> to vector<8x1x1024xf32>
    tpu.vector_store %arg1[%swap3A, %swap3A_25, %swap3A_26], %swap3A_29 {strides = array<i32>} : memref<8x3x1024xf32, #tpu.memory_space<vmem>>, vector<8x1x1024xf32>,
    %swap3A_30 = arith.constant 0 : index
    %swap3A_31 = arith.constant 1 : index
    %swap3A_32 = arith.constant 0 : index
    %swap3A_33 = vector.load %arg1[%swap3A_30, %swap3A_31, %swap3A_32] : memref<8x3x1024xf32, #tpu.memory_space<vmem>>, vector<8x1x1024xf32>
    %swap3A_34 = vector.shape_cast %swap3A_33 : vector<8x1x1024xf32> to vector<8x1024xf32>
    %swap3A_35 = vector.shape_cast %scan3A_23#3 : vector<8x1024xf32> to vector<8x1x1024xf32>
    tpu.vector_store %arg1[%swap3A_30, %swap3A_31, %swap3A_32], %swap3A_35 {strides = array<i32>} : memref<8x3x1024xf32, #tpu.memory_space<vmem>>, vector<8x1x1024xf32>,
    %swap3A_36 = arith.constant 0 : index
    %swap3A_37 = arith.constant 2 : index
    %swap3A_38 = arith.constant 0 : index
    %swap3A_39 = vector.load %arg1[%swap3A_36, %swap3A_37, %swap3A_38] : memref<8x3x1024xf32, #tpu.memory_space<vmem>>, vector<8x1x1024xf32>
    %swap3A_40 = vector.shape_cast %swap3A_39 : vector<8x1x1024xf32> to vector<8x1024xf32>
    %swap3A_41 = vector.shape_cast %scan3A_23#4 : vector<8x1024xf32> to vector<8x1x1024xf32>
    tpu.vector_store %arg1[%swap3A_36, %swap3A_37, %swap3A_38], %swap3A_41 {strides = array<i32>} : memref<8x3x1024xf32, #tpu.memory_space<vmem>>, vector<8x1x1024xf32>,
    return
  }
}

module attributes {stable_mosaic.version = 14 : i64} {
  func.func @_fps_body(%arg0: memref<8x3x1024xf32, #tpu.memory_space<vmem>>, %arg1: memref<8x3x256xf32, #tpu.memory_space<vmem>>) attributes {dimension_semantics = [], scalar_prefetch = 0 : i64, scratch_operands = 0 : i64, tpu.core_type = #tpu.core_type<tc>} {
    %get3A = arith.constant 0 : index
    %get3A_0 = arith.constant 0 : index
    %get3A_1 = arith.constant 0 : index
    %get3A_2 = vector.load %arg0[%get3A, %get3A_0, %get3A_1] : memref<8x3x1024xf32, #tpu.memory_space<vmem>>, vector<8x1x1024xf32>
    %get3A_3 = vector.shape_cast %get3A_2 : vector<8x1x1024xf32> to vector<8x1024xf32>
    %get3A_4 = arith.constant 0 : index
    %get3A_5 = arith.constant 1 : index
    %get3A_6 = arith.constant 0 : index
    %get3A_7 = vector.load %arg0[%get3A_4, %get3A_5, %get3A_6] : memref<8x3x1024xf32, #tpu.memory_space<vmem>>, vector<8x1x1024xf32>
    %get3A_8 = vector.shape_cast %get3A_7 : vector<8x1x1024xf32> to vector<8x1024xf32>
    %get3A_9 = arith.constant 0 : index
    %get3A_10 = arith.constant 2 : index
    %get3A_11 = arith.constant 0 : index
    %get3A_12 = vector.load %arg0[%get3A_9, %get3A_10, %get3A_11] : memref<8x3x1024xf32, #tpu.memory_space<vmem>>, vector<8x1x1024xf32>
    %get3A_13 = vector.shape_cast %get3A_12 : vector<8x1x1024xf32> to vector<8x1024xf32>
    %iota3A = tpu.iota {dimensions = array<i32: 1>} : vector<8x1024xi32>
    %iota3A_14 = tpu.iota {dimensions = array<i32: 1>} : vector<8x256xi32>
    %broadcast_in_dim3A = arith.constant 0.000000e+00 : f32
    %broadcast_in_dim3A_15 = vector.broadcast %broadcast_in_dim3A : f32 to vector<8x256xf32>
    %broadcast_in_dim3A_16 = arith.constant 1.000000e+10 : f32
    %broadcast_in_dim3A_17 = vector.broadcast %broadcast_in_dim3A_16 : f32 to vector<8x1024xf32>
    %broadcast_in_dim3A_18 = arith.constant 0 : i32
    %broadcast_in_dim3A_19 = vector.broadcast %broadcast_in_dim3A_18 : i32 to vector<8x1xi32>
    %scan3A = arith.constant 0 : i32
    %scan3A_20 = arith.constant 256 : i32
    %scan3A_21 = arith.addi %scan3A, %scan3A_20 : i32
    %scan3A_22 = arith.constant 1 : i32
    %scan3A_23:5 = scf.for %scan3A_42 = %scan3A to %scan3A_21 step %scan3A_22 iter_args(%scan3A_43 = %broadcast_in_dim3A_17, %scan3A_44 = %broadcast_in_dim3A_19, %scan3A_45 = %broadcast_in_dim3A_15, %scan3A_46 = %broadcast_in_dim3A_15, %scan3A_47 = %broadcast_in_dim3A_15) -> (vector<8x1024xf32>, vector<8x1xi32>, vector<8x256xf32>, vector<8x256xf32>, vector<8x256xf32>)  : i32 {
      %eq3A = vector.broadcast %scan3A_44 : vector<8x1xi32> to vector<8x1024xi32>
      %eq3A_48 = arith.cmpi eq, %iota3A, %eq3A : vector<8x1024xi32>
      %convert_element_type3A = arith.extui %eq3A_48 : vector<8x1024xi1> to vector<8x1024xi32>
      %convert_element_type3A_49 = arith.sitofp %convert_element_type3A : vector<8x1024xi32> to vector<8x1024xf32>
      %mul3A = arith.mulf %get3A_3, %convert_element_type3A_49 : vector<8x1024xf32>
      %reduce_sum3A = arith.constant dense<0.000000e+00> : vector<8xf32>
      %reduce_sum3A_50 = vector.multi_reduction <add>, %mul3A, %reduce_sum3A [1] : vector<8x1024xf32> to vector<8xf32>
      %broadcast_in_dim3A_51 = vector.shape_cast %reduce_sum3A_50 : vector<8xf32> to vector<8x1xf32>
      %mul3A_52 = arith.mulf %get3A_8, %convert_element_type3A_49 : vector<8x1024xf32>
      %reduce_sum3A_53 = arith.constant dense<0.000000e+00> : vector<8xf32>
      %reduce_sum3A_54 = vector.multi_reduction <add>, %mul3A_52, %reduce_sum3A_53 [1] : vector<8x1024xf32> to vector<8xf32>
      %broadcast_in_dim3A_55 = vector.shape_cast %reduce_sum3A_54 : vector<8xf32> to vector<8x1xf32>
      %mul3A_56 = arith.mulf %get3A_13, %convert_element_type3A_49 : vector<8x1024xf32>
      %reduce_sum3A_57 = arith.constant dense<0.000000e+00> : vector<8xf32>
      %reduce_sum3A_58 = vector.multi_reduction <add>, %mul3A_56, %reduce_sum3A_57 [1] : vector<8x1024xf32> to vector<8xf32>
      %broadcast_in_dim3A_59 = vector.shape_cast %reduce_sum3A_58 : vector<8xf32> to vector<8x1xf32>
      %sub3A = vector.broadcast %broadcast_in_dim3A_51 : vector<8x1xf32> to vector<8x1024xf32>
      %sub3A_60 = arith.subf %get3A_3, %sub3A : vector<8x1024xf32>
      %integer_pow3A = arith.mulf %sub3A_60, %sub3A_60 : vector<8x1024xf32>
      %sub3A_61 = vector.broadcast %broadcast_in_dim3A_55 : vector<8x1xf32> to vector<8x1024xf32>
      %sub3A_62 = arith.subf %get3A_8, %sub3A_61 : vector<8x1024xf32>
      %integer_pow3A_63 = arith.mulf %sub3A_62, %sub3A_62 : vector<8x1024xf32>
      %sub3A_64 = vector.broadcast %broadcast_in_dim3A_59 : vector<8x1xf32> to vector<8x1024xf32>
      %sub3A_65 = arith.subf %get3A_13, %sub3A_64 : vector<8x1024xf32>
      %integer_pow3A_66 = arith.mulf %sub3A_65, %sub3A_65 : vector<8x1024xf32>
      %add3A = arith.addf %integer_pow3A, %integer_pow3A_63 : vector<8x1024xf32>
      %add3A_67 = arith.addf %add3A, %integer_pow3A_66 : vector<8x1024xf32>
      %min3A = arith.minimumf %scan3A_43, %add3A_67 : vector<8x1024xf32>
      %reduce_max3A = arith.constant dense<0xFF800000> : vector<8xf32>
      %reduce_max3A_68 = vector.multi_reduction <maximumf>, %min3A, %reduce_max3A [1] : vector<8x1024xf32> to vector<8xf32>
      %broadcast_in_dim3A_69 = vector.shape_cast %reduce_max3A_68 : vector<8xf32> to vector<8x1xf32>
      %eq3A_70 = vector.broadcast %broadcast_in_dim3A_69 : vector<8x1xf32> to vector<8x1024xf32>
      %eq3A_71 = arith.cmpf oeq, %min3A, %eq3A_70 : vector<8x1024xf32>
      %jit3A = arith.constant 1024 : i32
      %broadcast_in_dim3A_72 = vector.broadcast %jit3A : i32 to vector<8x1024xi32>
      %select_n3A = arith.select %eq3A_71, %iota3A, %broadcast_in_dim3A_72 : vector<8x1024xi1>, vector<8x1024xi32>
      %reduce_min3A = arith.constant dense<2147483647> : vector<8xi32>
      %reduce_min3A_73 = vector.multi_reduction <minsi>, %select_n3A, %reduce_min3A [1] : vector<8x1024xi32> to vector<8xi32>
      %broadcast_in_dim3A_74 = vector.shape_cast %reduce_min3A_73 : vector<8xi32> to vector<8x1xi32>
      %eq3A_75 = vector.broadcast %scan3A_42 : i32 to vector<8x256xi32>
      %eq3A_76 = arith.cmpi eq, %iota3A_14, %eq3A_75 : vector<8x256xi32>
      %convert_element_type3A_77 = arith.extui %eq3A_76 : vector<8x256xi1> to vector<8x256xi32>
      %convert_element_type3A_78 = arith.sitofp %convert_element_type3A_77 : vector<8x256xi32> to vector<8x256xf32>
      %mul3A_79 = vector.broadcast %broadcast_in_dim3A_51 : vector<8x1xf32> to vector<8x256xf32>
      %mul3A_80 = arith.mulf %mul3A_79, %convert_element_type3A_78 : vector<8x256xf32>
      %add3A_81 = arith.addf %scan3A_45, %mul3A_80 : vector<8x256xf32>
      %mul3A_82 = vector.broadcast %broadcast_in_dim3A_55 : vector<8x1xf32> to vector<8x256xf32>
      %mul3A_83 = arith.mulf %mul3A_82, %convert_element_type3A_78 : vector<8x256xf32>
      %add3A_84 = arith.addf %scan3A_46, %mul3A_83 : vector<8x256xf32>
      %mul3A_85 = vector.broadcast %broadcast_in_dim3A_59 : vector<8x1xf32> to vector<8x256xf32>
      %mul3A_86 = arith.mulf %mul3A_85, %convert_element_type3A_78 : vector<8x256xf32>
      %add3A_87 = arith.addf %scan3A_47, %mul3A_86 : vector<8x256xf32>
      scf.yield %min3A, %broadcast_in_dim3A_74, %add3A_81, %add3A_84, %add3A_87 : vector<8x1024xf32>, vector<8x1xi32>, vector<8x256xf32>, vector<8x256xf32>, vector<8x256xf32>
    }
    %scan3A_24 = arith.constant 256 : i32
    %swap3A = arith.constant 0 : index
    %swap3A_25 = arith.constant 0 : index
    %swap3A_26 = arith.constant 0 : index
    %swap3A_27 = vector.load %arg1[%swap3A, %swap3A_25, %swap3A_26] : memref<8x3x256xf32, #tpu.memory_space<vmem>>, vector<8x1x256xf32>
    %swap3A_28 = vector.shape_cast %swap3A_27 : vector<8x1x256xf32> to vector<8x256xf32>
    %swap3A_29 = vector.shape_cast %scan3A_23#2 : vector<8x256xf32> to vector<8x1x256xf32>
    tpu.vector_store %arg1[%swap3A, %swap3A_25, %swap3A_26], %swap3A_29 {strides = array<i32>} : memref<8x3x256xf32, #tpu.memory_space<vmem>>, vector<8x1x256xf32>,
    %swap3A_30 = arith.constant 0 : index
    %swap3A_31 = arith.constant 1 : index
    %swap3A_32 = arith.constant 0 : index
    %swap3A_33 = vector.load %arg1[%swap3A_30, %swap3A_31, %swap3A_32] : memref<8x3x256xf32, #tpu.memory_space<vmem>>, vector<8x1x256xf32>
    %swap3A_34 = vector.shape_cast %swap3A_33 : vector<8x1x256xf32> to vector<8x256xf32>
    %swap3A_35 = vector.shape_cast %scan3A_23#3 : vector<8x256xf32> to vector<8x1x256xf32>
    tpu.vector_store %arg1[%swap3A_30, %swap3A_31, %swap3A_32], %swap3A_35 {strides = array<i32>} : memref<8x3x256xf32, #tpu.memory_space<vmem>>, vector<8x1x256xf32>,
    %swap3A_36 = arith.constant 0 : index
    %swap3A_37 = arith.constant 2 : index
    %swap3A_38 = arith.constant 0 : index
    %swap3A_39 = vector.load %arg1[%swap3A_36, %swap3A_37, %swap3A_38] : memref<8x3x256xf32, #tpu.memory_space<vmem>>, vector<8x1x256xf32>
    %swap3A_40 = vector.shape_cast %swap3A_39 : vector<8x1x256xf32> to vector<8x256xf32>
    %swap3A_41 = vector.shape_cast %scan3A_23#4 : vector<8x256xf32> to vector<8x1x256xf32>
    tpu.vector_store %arg1[%swap3A_36, %swap3A_37, %swap3A_38], %swap3A_41 {strides = array<i32>} : memref<8x3x256xf32, #tpu.memory_space<vmem>>, vector<8x1x256xf32>,
    return
  }
}

module attributes {stable_mosaic.version = 14 : i64} {
  func.func @_fps_body(%arg0: memref<8x3x256xf32, #tpu.memory_space<vmem>>, %arg1: memref<8x3x64xf32, #tpu.memory_space<vmem>>) attributes {dimension_semantics = [], scalar_prefetch = 0 : i64, scratch_operands = 0 : i64, tpu.core_type = #tpu.core_type<tc>} {
    %get3A = arith.constant 0 : index
    %get3A_0 = arith.constant 0 : index
    %get3A_1 = arith.constant 0 : index
    %get3A_2 = vector.load %arg0[%get3A, %get3A_0, %get3A_1] : memref<8x3x256xf32, #tpu.memory_space<vmem>>, vector<8x1x256xf32>
    %get3A_3 = vector.shape_cast %get3A_2 : vector<8x1x256xf32> to vector<8x256xf32>
    %get3A_4 = arith.constant 0 : index
    %get3A_5 = arith.constant 1 : index
    %get3A_6 = arith.constant 0 : index
    %get3A_7 = vector.load %arg0[%get3A_4, %get3A_5, %get3A_6] : memref<8x3x256xf32, #tpu.memory_space<vmem>>, vector<8x1x256xf32>
    %get3A_8 = vector.shape_cast %get3A_7 : vector<8x1x256xf32> to vector<8x256xf32>
    %get3A_9 = arith.constant 0 : index
    %get3A_10 = arith.constant 2 : index
    %get3A_11 = arith.constant 0 : index
    %get3A_12 = vector.load %arg0[%get3A_9, %get3A_10, %get3A_11] : memref<8x3x256xf32, #tpu.memory_space<vmem>>, vector<8x1x256xf32>
    %get3A_13 = vector.shape_cast %get3A_12 : vector<8x1x256xf32> to vector<8x256xf32>
    %iota3A = tpu.iota {dimensions = array<i32: 1>} : vector<8x256xi32>
    %iota3A_14 = tpu.iota {dimensions = array<i32: 1>} : vector<8x64xi32>
    %broadcast_in_dim3A = arith.constant 0.000000e+00 : f32
    %broadcast_in_dim3A_15 = vector.broadcast %broadcast_in_dim3A : f32 to vector<8x64xf32>
    %broadcast_in_dim3A_16 = arith.constant 1.000000e+10 : f32
    %broadcast_in_dim3A_17 = vector.broadcast %broadcast_in_dim3A_16 : f32 to vector<8x256xf32>
    %broadcast_in_dim3A_18 = arith.constant 0 : i32
    %broadcast_in_dim3A_19 = vector.broadcast %broadcast_in_dim3A_18 : i32 to vector<8x1xi32>
    %scan3A = arith.constant 0 : i32
    %scan3A_20 = arith.constant 64 : i32
    %scan3A_21 = arith.addi %scan3A, %scan3A_20 : i32
    %scan3A_22 = arith.constant 1 : i32
    %scan3A_23:5 = scf.for %scan3A_42 = %scan3A to %scan3A_21 step %scan3A_22 iter_args(%scan3A_43 = %broadcast_in_dim3A_17, %scan3A_44 = %broadcast_in_dim3A_19, %scan3A_45 = %broadcast_in_dim3A_15, %scan3A_46 = %broadcast_in_dim3A_15, %scan3A_47 = %broadcast_in_dim3A_15) -> (vector<8x256xf32>, vector<8x1xi32>, vector<8x64xf32>, vector<8x64xf32>, vector<8x64xf32>)  : i32 {
      %eq3A = vector.broadcast %scan3A_44 : vector<8x1xi32> to vector<8x256xi32>
      %eq3A_48 = arith.cmpi eq, %iota3A, %eq3A : vector<8x256xi32>
      %convert_element_type3A = arith.extui %eq3A_48 : vector<8x256xi1> to vector<8x256xi32>
      %convert_element_type3A_49 = arith.sitofp %convert_element_type3A : vector<8x256xi32> to vector<8x256xf32>
      %mul3A = arith.mulf %get3A_3, %convert_element_type3A_49 : vector<8x256xf32>
      %reduce_sum3A = arith.constant dense<0.000000e+00> : vector<8xf32>
      %reduce_sum3A_50 = vector.multi_reduction <add>, %mul3A, %reduce_sum3A [1] : vector<8x256xf32> to vector<8xf32>
      %broadcast_in_dim3A_51 = vector.shape_cast %reduce_sum3A_50 : vector<8xf32> to vector<8x1xf32>
      %mul3A_52 = arith.mulf %get3A_8, %convert_element_type3A_49 : vector<8x256xf32>
      %reduce_sum3A_53 = arith.constant dense<0.000000e+00> : vector<8xf32>
      %reduce_sum3A_54 = vector.multi_reduction <add>, %mul3A_52, %reduce_sum3A_53 [1] : vector<8x256xf32> to vector<8xf32>
      %broadcast_in_dim3A_55 = vector.shape_cast %reduce_sum3A_54 : vector<8xf32> to vector<8x1xf32>
      %mul3A_56 = arith.mulf %get3A_13, %convert_element_type3A_49 : vector<8x256xf32>
      %reduce_sum3A_57 = arith.constant dense<0.000000e+00> : vector<8xf32>
      %reduce_sum3A_58 = vector.multi_reduction <add>, %mul3A_56, %reduce_sum3A_57 [1] : vector<8x256xf32> to vector<8xf32>
      %broadcast_in_dim3A_59 = vector.shape_cast %reduce_sum3A_58 : vector<8xf32> to vector<8x1xf32>
      %sub3A = vector.broadcast %broadcast_in_dim3A_51 : vector<8x1xf32> to vector<8x256xf32>
      %sub3A_60 = arith.subf %get3A_3, %sub3A : vector<8x256xf32>
      %integer_pow3A = arith.mulf %sub3A_60, %sub3A_60 : vector<8x256xf32>
      %sub3A_61 = vector.broadcast %broadcast_in_dim3A_55 : vector<8x1xf32> to vector<8x256xf32>
      %sub3A_62 = arith.subf %get3A_8, %sub3A_61 : vector<8x256xf32>
      %integer_pow3A_63 = arith.mulf %sub3A_62, %sub3A_62 : vector<8x256xf32>
      %sub3A_64 = vector.broadcast %broadcast_in_dim3A_59 : vector<8x1xf32> to vector<8x256xf32>
      %sub3A_65 = arith.subf %get3A_13, %sub3A_64 : vector<8x256xf32>
      %integer_pow3A_66 = arith.mulf %sub3A_65, %sub3A_65 : vector<8x256xf32>
      %add3A = arith.addf %integer_pow3A, %integer_pow3A_63 : vector<8x256xf32>
      %add3A_67 = arith.addf %add3A, %integer_pow3A_66 : vector<8x256xf32>
      %min3A = arith.minimumf %scan3A_43, %add3A_67 : vector<8x256xf32>
      %reduce_max3A = arith.constant dense<0xFF800000> : vector<8xf32>
      %reduce_max3A_68 = vector.multi_reduction <maximumf>, %min3A, %reduce_max3A [1] : vector<8x256xf32> to vector<8xf32>
      %broadcast_in_dim3A_69 = vector.shape_cast %reduce_max3A_68 : vector<8xf32> to vector<8x1xf32>
      %eq3A_70 = vector.broadcast %broadcast_in_dim3A_69 : vector<8x1xf32> to vector<8x256xf32>
      %eq3A_71 = arith.cmpf oeq, %min3A, %eq3A_70 : vector<8x256xf32>
      %jit3A = arith.constant 256 : i32
      %broadcast_in_dim3A_72 = vector.broadcast %jit3A : i32 to vector<8x256xi32>
      %select_n3A = arith.select %eq3A_71, %iota3A, %broadcast_in_dim3A_72 : vector<8x256xi1>, vector<8x256xi32>
      %reduce_min3A = arith.constant dense<2147483647> : vector<8xi32>
      %reduce_min3A_73 = vector.multi_reduction <minsi>, %select_n3A, %reduce_min3A [1] : vector<8x256xi32> to vector<8xi32>
      %broadcast_in_dim3A_74 = vector.shape_cast %reduce_min3A_73 : vector<8xi32> to vector<8x1xi32>
      %eq3A_75 = vector.broadcast %scan3A_42 : i32 to vector<8x64xi32>
      %eq3A_76 = arith.cmpi eq, %iota3A_14, %eq3A_75 : vector<8x64xi32>
      %convert_element_type3A_77 = arith.extui %eq3A_76 : vector<8x64xi1> to vector<8x64xi32>
      %convert_element_type3A_78 = arith.sitofp %convert_element_type3A_77 : vector<8x64xi32> to vector<8x64xf32>
      %mul3A_79 = vector.broadcast %broadcast_in_dim3A_51 : vector<8x1xf32> to vector<8x64xf32>
      %mul3A_80 = arith.mulf %mul3A_79, %convert_element_type3A_78 : vector<8x64xf32>
      %add3A_81 = arith.addf %scan3A_45, %mul3A_80 : vector<8x64xf32>
      %mul3A_82 = vector.broadcast %broadcast_in_dim3A_55 : vector<8x1xf32> to vector<8x64xf32>
      %mul3A_83 = arith.mulf %mul3A_82, %convert_element_type3A_78 : vector<8x64xf32>
      %add3A_84 = arith.addf %scan3A_46, %mul3A_83 : vector<8x64xf32>
      %mul3A_85 = vector.broadcast %broadcast_in_dim3A_59 : vector<8x1xf32> to vector<8x64xf32>
      %mul3A_86 = arith.mulf %mul3A_85, %convert_element_type3A_78 : vector<8x64xf32>
      %add3A_87 = arith.addf %scan3A_47, %mul3A_86 : vector<8x64xf32>
      scf.yield %min3A, %broadcast_in_dim3A_74, %add3A_81, %add3A_84, %add3A_87 : vector<8x256xf32>, vector<8x1xi32>, vector<8x64xf32>, vector<8x64xf32>, vector<8x64xf32>
    }
    %scan3A_24 = arith.constant 64 : i32
    %swap3A = arith.constant 0 : index
    %swap3A_25 = arith.constant 0 : index
    %swap3A_26 = arith.constant 0 : index
    %swap3A_27 = vector.load %arg1[%swap3A, %swap3A_25, %swap3A_26] : memref<8x3x64xf32, #tpu.memory_space<vmem>>, vector<8x1x64xf32>
    %swap3A_28 = vector.shape_cast %swap3A_27 : vector<8x1x64xf32> to vector<8x64xf32>
    %swap3A_29 = vector.shape_cast %scan3A_23#2 : vector<8x64xf32> to vector<8x1x64xf32>
    tpu.vector_store %arg1[%swap3A, %swap3A_25, %swap3A_26], %swap3A_29 {strides = array<i32>} : memref<8x3x64xf32, #tpu.memory_space<vmem>>, vector<8x1x64xf32>,
    %swap3A_30 = arith.constant 0 : index
    %swap3A_31 = arith.constant 1 : index
    %swap3A_32 = arith.constant 0 : index
    %swap3A_33 = vector.load %arg1[%swap3A_30, %swap3A_31, %swap3A_32] : memref<8x3x64xf32, #tpu.memory_space<vmem>>, vector<8x1x64xf32>
    %swap3A_34 = vector.shape_cast %swap3A_33 : vector<8x1x64xf32> to vector<8x64xf32>
    %swap3A_35 = vector.shape_cast %scan3A_23#3 : vector<8x64xf32> to vector<8x1x64xf32>
    tpu.vector_store %arg1[%swap3A_30, %swap3A_31, %swap3A_32], %swap3A_35 {strides = array<i32>} : memref<8x3x64xf32, #tpu.memory_space<vmem>>, vector<8x1x64xf32>,
    %swap3A_36 = arith.constant 0 : index
    %swap3A_37 = arith.constant 2 : index
    %swap3A_38 = arith.constant 0 : index
    %swap3A_39 = vector.load %arg1[%swap3A_36, %swap3A_37, %swap3A_38] : memref<8x3x64xf32, #tpu.memory_space<vmem>>, vector<8x1x64xf32>
    %swap3A_40 = vector.shape_cast %swap3A_39 : vector<8x1x64xf32> to vector<8x64xf32>
    %swap3A_41 = vector.shape_cast %scan3A_23#4 : vector<8x64xf32> to vector<8x1x64xf32>
    tpu.vector_store %arg1[%swap3A_36, %swap3A_37, %swap3A_38], %swap3A_41 {strides = array<i32>} : memref<8x3x64xf32, #tpu.memory_space<vmem>>, vector<8x1x64xf32>,
    return
  }
}

module attributes {stable_mosaic.version = 14 : i64} {
  func.func @_fps_body(%arg0: memref<8x3x64xf32, #tpu.memory_space<vmem>>, %arg1: memref<8x3x16xf32, #tpu.memory_space<vmem>>) attributes {dimension_semantics = [], scalar_prefetch = 0 : i64, scratch_operands = 0 : i64, tpu.core_type = #tpu.core_type<tc>} {
    %get3A = arith.constant 0 : index
    %get3A_0 = arith.constant 0 : index
    %get3A_1 = arith.constant 0 : index
    %get3A_2 = vector.load %arg0[%get3A, %get3A_0, %get3A_1] : memref<8x3x64xf32, #tpu.memory_space<vmem>>, vector<8x1x64xf32>
    %get3A_3 = vector.shape_cast %get3A_2 : vector<8x1x64xf32> to vector<8x64xf32>
    %get3A_4 = arith.constant 0 : index
    %get3A_5 = arith.constant 1 : index
    %get3A_6 = arith.constant 0 : index
    %get3A_7 = vector.load %arg0[%get3A_4, %get3A_5, %get3A_6] : memref<8x3x64xf32, #tpu.memory_space<vmem>>, vector<8x1x64xf32>
    %get3A_8 = vector.shape_cast %get3A_7 : vector<8x1x64xf32> to vector<8x64xf32>
    %get3A_9 = arith.constant 0 : index
    %get3A_10 = arith.constant 2 : index
    %get3A_11 = arith.constant 0 : index
    %get3A_12 = vector.load %arg0[%get3A_9, %get3A_10, %get3A_11] : memref<8x3x64xf32, #tpu.memory_space<vmem>>, vector<8x1x64xf32>
    %get3A_13 = vector.shape_cast %get3A_12 : vector<8x1x64xf32> to vector<8x64xf32>
    %iota3A = tpu.iota {dimensions = array<i32: 1>} : vector<8x64xi32>
    %iota3A_14 = tpu.iota {dimensions = array<i32: 1>} : vector<8x16xi32>
    %broadcast_in_dim3A = arith.constant 0.000000e+00 : f32
    %broadcast_in_dim3A_15 = vector.broadcast %broadcast_in_dim3A : f32 to vector<8x16xf32>
    %broadcast_in_dim3A_16 = arith.constant 1.000000e+10 : f32
    %broadcast_in_dim3A_17 = vector.broadcast %broadcast_in_dim3A_16 : f32 to vector<8x64xf32>
    %broadcast_in_dim3A_18 = arith.constant 0 : i32
    %broadcast_in_dim3A_19 = vector.broadcast %broadcast_in_dim3A_18 : i32 to vector<8x1xi32>
    %scan3A = arith.constant 0 : i32
    %scan3A_20 = arith.constant 16 : i32
    %scan3A_21 = arith.addi %scan3A, %scan3A_20 : i32
    %scan3A_22 = arith.constant 1 : i32
    %scan3A_23:5 = scf.for %scan3A_42 = %scan3A to %scan3A_21 step %scan3A_22 iter_args(%scan3A_43 = %broadcast_in_dim3A_17, %scan3A_44 = %broadcast_in_dim3A_19, %scan3A_45 = %broadcast_in_dim3A_15, %scan3A_46 = %broadcast_in_dim3A_15, %scan3A_47 = %broadcast_in_dim3A_15) -> (vector<8x64xf32>, vector<8x1xi32>, vector<8x16xf32>, vector<8x16xf32>, vector<8x16xf32>)  : i32 {
      %eq3A = vector.broadcast %scan3A_44 : vector<8x1xi32> to vector<8x64xi32>
      %eq3A_48 = arith.cmpi eq, %iota3A, %eq3A : vector<8x64xi32>
      %convert_element_type3A = arith.extui %eq3A_48 : vector<8x64xi1> to vector<8x64xi32>
      %convert_element_type3A_49 = arith.sitofp %convert_element_type3A : vector<8x64xi32> to vector<8x64xf32>
      %mul3A = arith.mulf %get3A_3, %convert_element_type3A_49 : vector<8x64xf32>
      %reduce_sum3A = arith.constant dense<0.000000e+00> : vector<8xf32>
      %reduce_sum3A_50 = vector.multi_reduction <add>, %mul3A, %reduce_sum3A [1] : vector<8x64xf32> to vector<8xf32>
      %broadcast_in_dim3A_51 = vector.shape_cast %reduce_sum3A_50 : vector<8xf32> to vector<8x1xf32>
      %mul3A_52 = arith.mulf %get3A_8, %convert_element_type3A_49 : vector<8x64xf32>
      %reduce_sum3A_53 = arith.constant dense<0.000000e+00> : vector<8xf32>
      %reduce_sum3A_54 = vector.multi_reduction <add>, %mul3A_52, %reduce_sum3A_53 [1] : vector<8x64xf32> to vector<8xf32>
      %broadcast_in_dim3A_55 = vector.shape_cast %reduce_sum3A_54 : vector<8xf32> to vector<8x1xf32>
      %mul3A_56 = arith.mulf %get3A_13, %convert_element_type3A_49 : vector<8x64xf32>
      %reduce_sum3A_57 = arith.constant dense<0.000000e+00> : vector<8xf32>
      %reduce_sum3A_58 = vector.multi_reduction <add>, %mul3A_56, %reduce_sum3A_57 [1] : vector<8x64xf32> to vector<8xf32>
      %broadcast_in_dim3A_59 = vector.shape_cast %reduce_sum3A_58 : vector<8xf32> to vector<8x1xf32>
      %sub3A = vector.broadcast %broadcast_in_dim3A_51 : vector<8x1xf32> to vector<8x64xf32>
      %sub3A_60 = arith.subf %get3A_3, %sub3A : vector<8x64xf32>
      %integer_pow3A = arith.mulf %sub3A_60, %sub3A_60 : vector<8x64xf32>
      %sub3A_61 = vector.broadcast %broadcast_in_dim3A_55 : vector<8x1xf32> to vector<8x64xf32>
      %sub3A_62 = arith.subf %get3A_8, %sub3A_61 : vector<8x64xf32>
      %integer_pow3A_63 = arith.mulf %sub3A_62, %sub3A_62 : vector<8x64xf32>
      %sub3A_64 = vector.broadcast %broadcast_in_dim3A_59 : vector<8x1xf32> to vector<8x64xf32>
      %sub3A_65 = arith.subf %get3A_13, %sub3A_64 : vector<8x64xf32>
      %integer_pow3A_66 = arith.mulf %sub3A_65, %sub3A_65 : vector<8x64xf32>
      %add3A = arith.addf %integer_pow3A, %integer_pow3A_63 : vector<8x64xf32>
      %add3A_67 = arith.addf %add3A, %integer_pow3A_66 : vector<8x64xf32>
      %min3A = arith.minimumf %scan3A_43, %add3A_67 : vector<8x64xf32>
      %reduce_max3A = arith.constant dense<0xFF800000> : vector<8xf32>
      %reduce_max3A_68 = vector.multi_reduction <maximumf>, %min3A, %reduce_max3A [1] : vector<8x64xf32> to vector<8xf32>
      %broadcast_in_dim3A_69 = vector.shape_cast %reduce_max3A_68 : vector<8xf32> to vector<8x1xf32>
      %eq3A_70 = vector.broadcast %broadcast_in_dim3A_69 : vector<8x1xf32> to vector<8x64xf32>
      %eq3A_71 = arith.cmpf oeq, %min3A, %eq3A_70 : vector<8x64xf32>
      %jit3A = arith.constant 64 : i32
      %broadcast_in_dim3A_72 = vector.broadcast %jit3A : i32 to vector<8x64xi32>
      %select_n3A = arith.select %eq3A_71, %iota3A, %broadcast_in_dim3A_72 : vector<8x64xi1>, vector<8x64xi32>
      %reduce_min3A = arith.constant dense<2147483647> : vector<8xi32>
      %reduce_min3A_73 = vector.multi_reduction <minsi>, %select_n3A, %reduce_min3A [1] : vector<8x64xi32> to vector<8xi32>
      %broadcast_in_dim3A_74 = vector.shape_cast %reduce_min3A_73 : vector<8xi32> to vector<8x1xi32>
      %eq3A_75 = vector.broadcast %scan3A_42 : i32 to vector<8x16xi32>
      %eq3A_76 = arith.cmpi eq, %iota3A_14, %eq3A_75 : vector<8x16xi32>
      %convert_element_type3A_77 = arith.extui %eq3A_76 : vector<8x16xi1> to vector<8x16xi32>
      %convert_element_type3A_78 = arith.sitofp %convert_element_type3A_77 : vector<8x16xi32> to vector<8x16xf32>
      %mul3A_79 = vector.broadcast %broadcast_in_dim3A_51 : vector<8x1xf32> to vector<8x16xf32>
      %mul3A_80 = arith.mulf %mul3A_79, %convert_element_type3A_78 : vector<8x16xf32>
      %add3A_81 = arith.addf %scan3A_45, %mul3A_80 : vector<8x16xf32>
      %mul3A_82 = vector.broadcast %broadcast_in_dim3A_55 : vector<8x1xf32> to vector<8x16xf32>
      %mul3A_83 = arith.mulf %mul3A_82, %convert_element_type3A_78 : vector<8x16xf32>
      %add3A_84 = arith.addf %scan3A_46, %mul3A_83 : vector<8x16xf32>
      %mul3A_85 = vector.broadcast %broadcast_in_dim3A_59 : vector<8x1xf32> to vector<8x16xf32>
      %mul3A_86 = arith.mulf %mul3A_85, %convert_element_type3A_78 : vector<8x16xf32>
      %add3A_87 = arith.addf %scan3A_47, %mul3A_86 : vector<8x16xf32>
      scf.yield %min3A, %broadcast_in_dim3A_74, %add3A_81, %add3A_84, %add3A_87 : vector<8x64xf32>, vector<8x1xi32>, vector<8x16xf32>, vector<8x16xf32>, vector<8x16xf32>
    }
    %scan3A_24 = arith.constant 16 : i32
    %swap3A = arith.constant 0 : index
    %swap3A_25 = arith.constant 0 : index
    %swap3A_26 = arith.constant 0 : index
    %swap3A_27 = vector.load %arg1[%swap3A, %swap3A_25, %swap3A_26] : memref<8x3x16xf32, #tpu.memory_space<vmem>>, vector<8x1x16xf32>
    %swap3A_28 = vector.shape_cast %swap3A_27 : vector<8x1x16xf32> to vector<8x16xf32>
    %swap3A_29 = vector.shape_cast %scan3A_23#2 : vector<8x16xf32> to vector<8x1x16xf32>
    tpu.vector_store %arg1[%swap3A, %swap3A_25, %swap3A_26], %swap3A_29 {strides = array<i32>} : memref<8x3x16xf32, #tpu.memory_space<vmem>>, vector<8x1x16xf32>,
    %swap3A_30 = arith.constant 0 : index
    %swap3A_31 = arith.constant 1 : index
    %swap3A_32 = arith.constant 0 : index
    %swap3A_33 = vector.load %arg1[%swap3A_30, %swap3A_31, %swap3A_32] : memref<8x3x16xf32, #tpu.memory_space<vmem>>, vector<8x1x16xf32>
    %swap3A_34 = vector.shape_cast %swap3A_33 : vector<8x1x16xf32> to vector<8x16xf32>
    %swap3A_35 = vector.shape_cast %scan3A_23#3 : vector<8x16xf32> to vector<8x1x16xf32>
    tpu.vector_store %arg1[%swap3A_30, %swap3A_31, %swap3A_32], %swap3A_35 {strides = array<i32>} : memref<8x3x16xf32, #tpu.memory_space<vmem>>, vector<8x1x16xf32>,
    %swap3A_36 = arith.constant 0 : index
    %swap3A_37 = arith.constant 2 : index
    %swap3A_38 = arith.constant 0 : index
    %swap3A_39 = vector.load %arg1[%swap3A_36, %swap3A_37, %swap3A_38] : memref<8x3x16xf32, #tpu.memory_space<vmem>>, vector<8x1x16xf32>
    %swap3A_40 = vector.shape_cast %swap3A_39 : vector<8x1x16xf32> to vector<8x16xf32>
    %swap3A_41 = vector.shape_cast %scan3A_23#4 : vector<8x16xf32> to vector<8x1x16xf32>
    tpu.vector_store %arg1[%swap3A_36, %swap3A_37, %swap3A_38], %swap3A_41 {strides = array<i32>} : memref<8x3x16xf32, #tpu.memory_space<vmem>>, vector<8x1x16xf32>,
    return
  }
}

module attributes {stable_mosaic.version = 14 : i64} {
  func.func @_mm_body(%arg0: i32, %arg1: memref<1024x16xf32, #tpu.memory_space<vmem>>, %arg2: memref<1024x16xf32, #tpu.memory_space<vmem>>, %arg3: memref<16x32xf32, #tpu.memory_space<vmem>>, %arg4: memref<8x32xf32, #tpu.memory_space<vmem>>, %arg5: memref<1024x32xf32, #tpu.memory_space<vmem>>, %arg6: memref<1x2x32xf32, #tpu.memory_space<vmem>>) attributes {dimension_semantics = [#tpu.dimension_semantics<arbitrary>], iteration_bounds = array<i64: 256>, scalar_prefetch = 0 : i64, scratch_operands = 0 : i64, tpu.core_type = #tpu.core_type<tc>, window_params = [{transform_indices = @transform_0, window_bounds = array<i64: 1024, 16>}, {transform_indices = @transform_1, window_bounds = array<i64: 1024, 16>}, {pipeline_mode = #tpu.pipeline_mode<synchronous>, transform_indices = @transform_2, window_bounds = array<i64: 16, 32>}, {pipeline_mode = #tpu.pipeline_mode<synchronous>, transform_indices = @transform_3, window_bounds = array<i64: 8, 32>}, {transform_indices = @transform_4, window_bounds = array<i64: 1024, 32>}, {transform_indices = @transform_5, window_bounds = array<i64: 1, 2, 32>}]} {
    %get3A = arith.constant 0 : index
    %get3A_0 = arith.constant 0 : index
    %get3A_1 = vector.load %arg1[%get3A, %get3A_0] : memref<1024x16xf32, #tpu.memory_space<vmem>>, vector<1024x16xf32>
    %get3A_2 = arith.constant 0 : index
    %get3A_3 = arith.constant 0 : index
    %get3A_4 = vector.load %arg2[%get3A_2, %get3A_3] : memref<1024x16xf32, #tpu.memory_space<vmem>>, vector<1024x16xf32>
    %sub3A = arith.subf %get3A_1, %get3A_4 : vector<1024x16xf32>
    %get3A_5 = arith.constant 0 : index
    %get3A_6 = arith.constant 0 : index
    %get3A_7 = vector.load %arg3[%get3A_5, %get3A_6] : memref<16x32xf32, #tpu.memory_space<vmem>>, vector<16x32xf32>
    %dot_general3A = arith.constant dense<0.000000e+00> : vector<1024x32xf32>
    %dot_general3A_8 = tpu.matmul %sub3A, %get3A_7, %dot_general3A {dimension_numbers = #tpu.dot_dimension_numbers<[1], [0], [0], [1], [0, 0, 1, 1], [], []>, transpose_lhs_hint = false} : vector<1024x16xf32>, vector<16x32xf32>, vector<1024x32xf32> -> vector<1024x32xf32>
    %get3A_9 = arith.constant 0 : index
    %get3A_10 = arith.constant 0 : index
    %get3A_11 = vector.load %arg4[%get3A_9, %get3A_10] : memref<8x32xf32, #tpu.memory_space<vmem>>, vector<1x32xf32>
    %add3A = vector.broadcast %get3A_11 : vector<1x32xf32> to vector<1024x32xf32>
    %add3A_12 = arith.addf %dot_general3A_8, %add3A : vector<1024x32xf32>
    %swap3A = arith.constant 0 : index
    %swap3A_13 = arith.constant 0 : index
    %swap3A_14 = vector.load %arg5[%swap3A, %swap3A_13] : memref<1024x32xf32, #tpu.memory_space<vmem>>, vector<1024x32xf32>
    tpu.vector_store %arg5[%swap3A, %swap3A_13], %add3A_12 {strides = array<i32>} : memref<1024x32xf32, #tpu.memory_space<vmem>>, vector<1024x32xf32>,
    %reduce_sum3A = arith.constant dense<0.000000e+00> : vector<32xf32>
    %reduce_sum3A_15 = vector.multi_reduction <add>, %add3A_12, %reduce_sum3A [0] : vector<1024x32xf32> to vector<32xf32>
    %broadcast_in_dim3A = vector.shape_cast %reduce_sum3A_15 : vector<32xf32> to vector<1x32xf32>
    %swap3A_16 = arith.constant 0 : index
    %swap3A_17 = arith.constant 0 : index
    %swap3A_18 = arith.constant 0 : index
    %swap3A_19 = vector.load %arg6[%swap3A_16, %swap3A_17, %swap3A_18] : memref<1x2x32xf32, #tpu.memory_space<vmem>>, vector<1x1x32xf32>
    %swap3A_20 = vector.shape_cast %swap3A_19 : vector<1x1x32xf32> to vector<1x32xf32>
    %swap3A_21 = vector.shape_cast %broadcast_in_dim3A : vector<1x32xf32> to vector<1x1x32xf32>
    tpu.vector_store %arg6[%swap3A_16, %swap3A_17, %swap3A_18], %swap3A_21 {strides = array<i32>} : memref<1x2x32xf32, #tpu.memory_space<vmem>>, vector<1x1x32xf32>,
    %mul3A = arith.mulf %add3A_12, %add3A_12 : vector<1024x32xf32>
    %reduce_sum3A_22 = arith.constant dense<0.000000e+00> : vector<32xf32>
    %reduce_sum3A_23 = vector.multi_reduction <add>, %mul3A, %reduce_sum3A_22 [0] : vector<1024x32xf32> to vector<32xf32>
    %broadcast_in_dim3A_24 = vector.shape_cast %reduce_sum3A_23 : vector<32xf32> to vector<1x32xf32>
    %swap3A_25 = arith.constant 0 : index
    %swap3A_26 = arith.constant 1 : index
    %swap3A_27 = arith.constant 0 : index
    %swap3A_28 = vector.load %arg6[%swap3A_25, %swap3A_26, %swap3A_27] : memref<1x2x32xf32, #tpu.memory_space<vmem>>, vector<1x1x32xf32>
    %swap3A_29 = vector.shape_cast %swap3A_28 : vector<1x1x32xf32> to vector<1x32xf32>
    %swap3A_30 = vector.shape_cast %broadcast_in_dim3A_24 : vector<1x32xf32> to vector<1x1x32xf32>
    tpu.vector_store %arg6[%swap3A_25, %swap3A_26, %swap3A_27], %swap3A_30 {strides = array<i32>} : memref<1x2x32xf32, #tpu.memory_space<vmem>>, vector<1x1x32xf32>,
    return
  }
  func.func @transform_0(%arg0: i32) -> (i32, i32) {
    %c0_i32 = arith.constant 0 : i32
    %c0_i32_0 = arith.constant 0 : i32
    return %arg0, %c0_i32 : i32, i32
  }
  func.func @transform_1(%arg0: i32) -> (i32, i32) {
    %c0_i32 = arith.constant 0 : i32
    %c0_i32_0 = arith.constant 0 : i32
    return %arg0, %c0_i32 : i32, i32
  }
  func.func @transform_2(%arg0: i32) -> (i32, i32) {
    %c0_i32 = arith.constant 0 : i32
    %c0_i32_0 = arith.constant 0 : i32
    %c0_i32_1 = arith.constant 0 : i32
    return %c0_i32, %c0_i32_0 : i32, i32
  }
  func.func @transform_3(%arg0: i32) -> (i32, i32) {
    %c0_i32 = arith.constant 0 : i32
    %c0_i32_0 = arith.constant 0 : i32
    %c0_i32_1 = arith.constant 0 : i32
    return %c0_i32, %c0_i32_0 : i32, i32
  }
  func.func @transform_4(%arg0: i32) -> (i32, i32) {
    %c0_i32 = arith.constant 0 : i32
    %c0_i32_0 = arith.constant 0 : i32
    return %arg0, %c0_i32 : i32, i32
  }
  func.func @transform_5(%arg0: i32) -> (i32, i32, i32) {
    %c0_i32 = arith.constant 0 : i32
    %c0_i32_0 = arith.constant 0 : i32
    %c0_i32_1 = arith.constant 0 : i32
    return %arg0, %c0_i32, %c0_i32_0 : i32, i32, i32
  }
}

module attributes {stable_mosaic.version = 14 : i64} {
  func.func @_mm_body(%arg0: i32, %arg1: memref<1024x32xf32, #tpu.memory_space<vmem>>, %arg2: memref<8x32xf32, #tpu.memory_space<vmem>>, %arg3: memref<32x32xf32, #tpu.memory_space<vmem>>, %arg4: memref<8x32xf32, #tpu.memory_space<vmem>>, %arg5: memref<1024x32xf32, #tpu.memory_space<vmem>>, %arg6: memref<1x2x32xf32, #tpu.memory_space<vmem>>) attributes {dimension_semantics = [#tpu.dimension_semantics<arbitrary>], iteration_bounds = array<i64: 256>, scalar_prefetch = 0 : i64, scratch_operands = 0 : i64, tpu.core_type = #tpu.core_type<tc>, window_params = [{transform_indices = @transform_0, window_bounds = array<i64: 1024, 32>}, {pipeline_mode = #tpu.pipeline_mode<synchronous>, transform_indices = @transform_1, window_bounds = array<i64: 8, 32>}, {pipeline_mode = #tpu.pipeline_mode<synchronous>, transform_indices = @transform_2, window_bounds = array<i64: 32, 32>}, {pipeline_mode = #tpu.pipeline_mode<synchronous>, transform_indices = @transform_3, window_bounds = array<i64: 8, 32>}, {transform_indices = @transform_4, window_bounds = array<i64: 1024, 32>}, {transform_indices = @transform_5, window_bounds = array<i64: 1, 2, 32>}]} {
    %get3A = arith.constant 0 : index
    %get3A_0 = arith.constant 0 : index
    %get3A_1 = vector.load %arg1[%get3A, %get3A_0] : memref<1024x32xf32, #tpu.memory_space<vmem>>, vector<1024x32xf32>
    %get3A_2 = arith.constant 0 : index
    %get3A_3 = arith.constant 0 : index
    %get3A_4 = vector.load %arg2[%get3A_2, %get3A_3] : memref<8x32xf32, #tpu.memory_space<vmem>>, vector<1x32xf32>
    %mul3A = vector.broadcast %get3A_4 : vector<1x32xf32> to vector<1024x32xf32>
    %mul3A_5 = arith.mulf %get3A_1, %mul3A : vector<1024x32xf32>
    %get3A_6 = arith.constant 4 : index
    %get3A_7 = arith.constant 0 : index
    %get3A_8 = vector.load %arg2[%get3A_6, %get3A_7] : memref<8x32xf32, #tpu.memory_space<vmem>>, vector<1x32xf32>
    %add3A = vector.broadcast %get3A_8 : vector<1x32xf32> to vector<1024x32xf32>
    %add3A_9 = arith.addf %mul3A_5, %add3A : vector<1024x32xf32>
    %max3A = arith.constant 0.000000e+00 : f32
    %max3A_10 = vector.broadcast %max3A : f32 to vector<1024x32xf32>
    %max3A_11 = arith.maximumf %add3A_9, %max3A_10 : vector<1024x32xf32>
    %get3A_12 = arith.constant 0 : index
    %get3A_13 = arith.constant 0 : index
    %get3A_14 = vector.load %arg3[%get3A_12, %get3A_13] : memref<32x32xf32, #tpu.memory_space<vmem>>, vector<32x32xf32>
    %dot_general3A = arith.constant dense<0.000000e+00> : vector<1024x32xf32>
    %dot_general3A_15 = tpu.matmul %max3A_11, %get3A_14, %dot_general3A {dimension_numbers = #tpu.dot_dimension_numbers<[1], [0], [0], [1], [0, 0, 1, 1], [], []>, transpose_lhs_hint = false} : vector<1024x32xf32>, vector<32x32xf32>, vector<1024x32xf32> -> vector<1024x32xf32>
    %get3A_16 = arith.constant 0 : index
    %get3A_17 = arith.constant 0 : index
    %get3A_18 = vector.load %arg4[%get3A_16, %get3A_17] : memref<8x32xf32, #tpu.memory_space<vmem>>, vector<1x32xf32>
    %add3A_19 = vector.broadcast %get3A_18 : vector<1x32xf32> to vector<1024x32xf32>
    %add3A_20 = arith.addf %dot_general3A_15, %add3A_19 : vector<1024x32xf32>
    %swap3A = arith.constant 0 : index
    %swap3A_21 = arith.constant 0 : index
    %swap3A_22 = vector.load %arg5[%swap3A, %swap3A_21] : memref<1024x32xf32, #tpu.memory_space<vmem>>, vector<1024x32xf32>
    tpu.vector_store %arg5[%swap3A, %swap3A_21], %add3A_20 {strides = array<i32>} : memref<1024x32xf32, #tpu.memory_space<vmem>>, vector<1024x32xf32>,
    %reduce_sum3A = arith.constant dense<0.000000e+00> : vector<32xf32>
    %reduce_sum3A_23 = vector.multi_reduction <add>, %add3A_20, %reduce_sum3A [0] : vector<1024x32xf32> to vector<32xf32>
    %broadcast_in_dim3A = vector.shape_cast %reduce_sum3A_23 : vector<32xf32> to vector<1x32xf32>
    %swap3A_24 = arith.constant 0 : index
    %swap3A_25 = arith.constant 0 : index
    %swap3A_26 = arith.constant 0 : index
    %swap3A_27 = vector.load %arg6[%swap3A_24, %swap3A_25, %swap3A_26] : memref<1x2x32xf32, #tpu.memory_space<vmem>>, vector<1x1x32xf32>
    %swap3A_28 = vector.shape_cast %swap3A_27 : vector<1x1x32xf32> to vector<1x32xf32>
    %swap3A_29 = vector.shape_cast %broadcast_in_dim3A : vector<1x32xf32> to vector<1x1x32xf32>
    tpu.vector_store %arg6[%swap3A_24, %swap3A_25, %swap3A_26], %swap3A_29 {strides = array<i32>} : memref<1x2x32xf32, #tpu.memory_space<vmem>>, vector<1x1x32xf32>,
    %mul3A_30 = arith.mulf %add3A_20, %add3A_20 : vector<1024x32xf32>
    %reduce_sum3A_31 = arith.constant dense<0.000000e+00> : vector<32xf32>
    %reduce_sum3A_32 = vector.multi_reduction <add>, %mul3A_30, %reduce_sum3A_31 [0] : vector<1024x32xf32> to vector<32xf32>
    %broadcast_in_dim3A_33 = vector.shape_cast %reduce_sum3A_32 : vector<32xf32> to vector<1x32xf32>
    %swap3A_34 = arith.constant 0 : index
    %swap3A_35 = arith.constant 1 : index
    %swap3A_36 = arith.constant 0 : index
    %swap3A_37 = vector.load %arg6[%swap3A_34, %swap3A_35, %swap3A_36] : memref<1x2x32xf32, #tpu.memory_space<vmem>>, vector<1x1x32xf32>
    %swap3A_38 = vector.shape_cast %swap3A_37 : vector<1x1x32xf32> to vector<1x32xf32>
    %swap3A_39 = vector.shape_cast %broadcast_in_dim3A_33 : vector<1x32xf32> to vector<1x1x32xf32>
    tpu.vector_store %arg6[%swap3A_34, %swap3A_35, %swap3A_36], %swap3A_39 {strides = array<i32>} : memref<1x2x32xf32, #tpu.memory_space<vmem>>, vector<1x1x32xf32>,
    return
  }
  func.func @transform_0(%arg0: i32) -> (i32, i32) {
    %c0_i32 = arith.constant 0 : i32
    %c0_i32_0 = arith.constant 0 : i32
    return %arg0, %c0_i32 : i32, i32
  }
  func.func @transform_1(%arg0: i32) -> (i32, i32) {
    %c0_i32 = arith.constant 0 : i32
    %c0_i32_0 = arith.constant 0 : i32
    %c0_i32_1 = arith.constant 0 : i32
    return %c0_i32, %c0_i32_0 : i32, i32
  }
  func.func @transform_2(%arg0: i32) -> (i32, i32) {
    %c0_i32 = arith.constant 0 : i32
    %c0_i32_0 = arith.constant 0 : i32
    %c0_i32_1 = arith.constant 0 : i32
    return %c0_i32, %c0_i32_0 : i32, i32
  }
  func.func @transform_3(%arg0: i32) -> (i32, i32) {
    %c0_i32 = arith.constant 0 : i32
    %c0_i32_0 = arith.constant 0 : i32
    %c0_i32_1 = arith.constant 0 : i32
    return %c0_i32, %c0_i32_0 : i32, i32
  }
  func.func @transform_4(%arg0: i32) -> (i32, i32) {
    %c0_i32 = arith.constant 0 : i32
    %c0_i32_0 = arith.constant 0 : i32
    return %arg0, %c0_i32 : i32, i32
  }
  func.func @transform_5(%arg0: i32) -> (i32, i32, i32) {
    %c0_i32 = arith.constant 0 : i32
    %c0_i32_0 = arith.constant 0 : i32
    %c0_i32_1 = arith.constant 0 : i32
    return %arg0, %c0_i32, %c0_i32_0 : i32, i32, i32
  }
}

module attributes {stable_mosaic.version = 14 : i64} {
  func.func @_mm_body(%arg0: i32, %arg1: memref<1024x32xf32, #tpu.memory_space<vmem>>, %arg2: memref<8x32xf32, #tpu.memory_space<vmem>>, %arg3: memref<32x64xf32, #tpu.memory_space<vmem>>, %arg4: memref<8x64xf32, #tpu.memory_space<vmem>>, %arg5: memref<1024x64xf32, #tpu.memory_space<vmem>>, %arg6: memref<1x2x64xf32, #tpu.memory_space<vmem>>) attributes {dimension_semantics = [#tpu.dimension_semantics<arbitrary>], iteration_bounds = array<i64: 256>, scalar_prefetch = 0 : i64, scratch_operands = 0 : i64, tpu.core_type = #tpu.core_type<tc>, window_params = [{transform_indices = @transform_0, window_bounds = array<i64: 1024, 32>}, {pipeline_mode = #tpu.pipeline_mode<synchronous>, transform_indices = @transform_1, window_bounds = array<i64: 8, 32>}, {pipeline_mode = #tpu.pipeline_mode<synchronous>, transform_indices = @transform_2, window_bounds = array<i64: 32, 64>}, {pipeline_mode = #tpu.pipeline_mode<synchronous>, transform_indices = @transform_3, window_bounds = array<i64: 8, 64>}, {transform_indices = @transform_4, window_bounds = array<i64: 1024, 64>}, {transform_indices = @transform_5, window_bounds = array<i64: 1, 2, 64>}]} {
    %get3A = arith.constant 0 : index
    %get3A_0 = arith.constant 0 : index
    %get3A_1 = vector.load %arg1[%get3A, %get3A_0] : memref<1024x32xf32, #tpu.memory_space<vmem>>, vector<1024x32xf32>
    %get3A_2 = arith.constant 0 : index
    %get3A_3 = arith.constant 0 : index
    %get3A_4 = vector.load %arg2[%get3A_2, %get3A_3] : memref<8x32xf32, #tpu.memory_space<vmem>>, vector<1x32xf32>
    %mul3A = vector.broadcast %get3A_4 : vector<1x32xf32> to vector<1024x32xf32>
    %mul3A_5 = arith.mulf %get3A_1, %mul3A : vector<1024x32xf32>
    %get3A_6 = arith.constant 4 : index
    %get3A_7 = arith.constant 0 : index
    %get3A_8 = vector.load %arg2[%get3A_6, %get3A_7] : memref<8x32xf32, #tpu.memory_space<vmem>>, vector<1x32xf32>
    %add3A = vector.broadcast %get3A_8 : vector<1x32xf32> to vector<1024x32xf32>
    %add3A_9 = arith.addf %mul3A_5, %add3A : vector<1024x32xf32>
    %max3A = arith.constant 0.000000e+00 : f32
    %max3A_10 = vector.broadcast %max3A : f32 to vector<1024x32xf32>
    %max3A_11 = arith.maximumf %add3A_9, %max3A_10 : vector<1024x32xf32>
    %get3A_12 = arith.constant 0 : index
    %get3A_13 = arith.constant 0 : index
    %get3A_14 = vector.load %arg3[%get3A_12, %get3A_13] : memref<32x64xf32, #tpu.memory_space<vmem>>, vector<32x64xf32>
    %dot_general3A = arith.constant dense<0.000000e+00> : vector<1024x64xf32>
    %dot_general3A_15 = tpu.matmul %max3A_11, %get3A_14, %dot_general3A {dimension_numbers = #tpu.dot_dimension_numbers<[1], [0], [0], [1], [0, 0, 1, 1], [], []>, transpose_lhs_hint = false} : vector<1024x32xf32>, vector<32x64xf32>, vector<1024x64xf32> -> vector<1024x64xf32>
    %get3A_16 = arith.constant 0 : index
    %get3A_17 = arith.constant 0 : index
    %get3A_18 = vector.load %arg4[%get3A_16, %get3A_17] : memref<8x64xf32, #tpu.memory_space<vmem>>, vector<1x64xf32>
    %add3A_19 = vector.broadcast %get3A_18 : vector<1x64xf32> to vector<1024x64xf32>
    %add3A_20 = arith.addf %dot_general3A_15, %add3A_19 : vector<1024x64xf32>
    %swap3A = arith.constant 0 : index
    %swap3A_21 = arith.constant 0 : index
    %swap3A_22 = vector.load %arg5[%swap3A, %swap3A_21] : memref<1024x64xf32, #tpu.memory_space<vmem>>, vector<1024x64xf32>
    tpu.vector_store %arg5[%swap3A, %swap3A_21], %add3A_20 {strides = array<i32>} : memref<1024x64xf32, #tpu.memory_space<vmem>>, vector<1024x64xf32>,
    %reduce_sum3A = arith.constant dense<0.000000e+00> : vector<64xf32>
    %reduce_sum3A_23 = vector.multi_reduction <add>, %add3A_20, %reduce_sum3A [0] : vector<1024x64xf32> to vector<64xf32>
    %broadcast_in_dim3A = vector.shape_cast %reduce_sum3A_23 : vector<64xf32> to vector<1x64xf32>
    %swap3A_24 = arith.constant 0 : index
    %swap3A_25 = arith.constant 0 : index
    %swap3A_26 = arith.constant 0 : index
    %swap3A_27 = vector.load %arg6[%swap3A_24, %swap3A_25, %swap3A_26] : memref<1x2x64xf32, #tpu.memory_space<vmem>>, vector<1x1x64xf32>
    %swap3A_28 = vector.shape_cast %swap3A_27 : vector<1x1x64xf32> to vector<1x64xf32>
    %swap3A_29 = vector.shape_cast %broadcast_in_dim3A : vector<1x64xf32> to vector<1x1x64xf32>
    tpu.vector_store %arg6[%swap3A_24, %swap3A_25, %swap3A_26], %swap3A_29 {strides = array<i32>} : memref<1x2x64xf32, #tpu.memory_space<vmem>>, vector<1x1x64xf32>,
    %mul3A_30 = arith.mulf %add3A_20, %add3A_20 : vector<1024x64xf32>
    %reduce_sum3A_31 = arith.constant dense<0.000000e+00> : vector<64xf32>
    %reduce_sum3A_32 = vector.multi_reduction <add>, %mul3A_30, %reduce_sum3A_31 [0] : vector<1024x64xf32> to vector<64xf32>
    %broadcast_in_dim3A_33 = vector.shape_cast %reduce_sum3A_32 : vector<64xf32> to vector<1x64xf32>
    %swap3A_34 = arith.constant 0 : index
    %swap3A_35 = arith.constant 1 : index
    %swap3A_36 = arith.constant 0 : index
    %swap3A_37 = vector.load %arg6[%swap3A_34, %swap3A_35, %swap3A_36] : memref<1x2x64xf32, #tpu.memory_space<vmem>>, vector<1x1x64xf32>
    %swap3A_38 = vector.shape_cast %swap3A_37 : vector<1x1x64xf32> to vector<1x64xf32>
    %swap3A_39 = vector.shape_cast %broadcast_in_dim3A_33 : vector<1x64xf32> to vector<1x1x64xf32>
    tpu.vector_store %arg6[%swap3A_34, %swap3A_35, %swap3A_36], %swap3A_39 {strides = array<i32>} : memref<1x2x64xf32, #tpu.memory_space<vmem>>, vector<1x1x64xf32>,
    return
  }
  func.func @transform_0(%arg0: i32) -> (i32, i32) {
    %c0_i32 = arith.constant 0 : i32
    %c0_i32_0 = arith.constant 0 : i32
    return %arg0, %c0_i32 : i32, i32
  }
  func.func @transform_1(%arg0: i32) -> (i32, i32) {
    %c0_i32 = arith.constant 0 : i32
    %c0_i32_0 = arith.constant 0 : i32
    %c0_i32_1 = arith.constant 0 : i32
    return %c0_i32, %c0_i32_0 : i32, i32
  }
  func.func @transform_2(%arg0: i32) -> (i32, i32) {
    %c0_i32 = arith.constant 0 : i32
    %c0_i32_0 = arith.constant 0 : i32
    %c0_i32_1 = arith.constant 0 : i32
    return %c0_i32, %c0_i32_0 : i32, i32
  }
  func.func @transform_3(%arg0: i32) -> (i32, i32) {
    %c0_i32 = arith.constant 0 : i32
    %c0_i32_0 = arith.constant 0 : i32
    %c0_i32_1 = arith.constant 0 : i32
    return %c0_i32, %c0_i32_0 : i32, i32
  }
  func.func @transform_4(%arg0: i32) -> (i32, i32) {
    %c0_i32 = arith.constant 0 : i32
    %c0_i32_0 = arith.constant 0 : i32
    return %arg0, %c0_i32 : i32, i32
  }
  func.func @transform_5(%arg0: i32) -> (i32, i32, i32) {
    %c0_i32 = arith.constant 0 : i32
    %c0_i32_0 = arith.constant 0 : i32
    %c0_i32_1 = arith.constant 0 : i32
    return %arg0, %c0_i32, %c0_i32_0 : i32, i32, i32
  }
}

module attributes {stable_mosaic.version = 14 : i64} {
  func.func @_pool_body(%arg0: i32, %arg1: memref<256x2048xf32, #tpu.memory_space<vmem>>, %arg2: memref<8x2048xf32, #tpu.memory_space<vmem>>, %arg3: memref<256x64xf32, #tpu.memory_space<vmem>>) attributes {dimension_semantics = [#tpu.dimension_semantics<arbitrary>], iteration_bounds = array<i64: 32>, scalar_prefetch = 0 : i64, scratch_operands = 0 : i64, tpu.core_type = #tpu.core_type<tc>, window_params = [{transform_indices = @transform_0, window_bounds = array<i64: 256, 2048>}, {pipeline_mode = #tpu.pipeline_mode<synchronous>, transform_indices = @transform_1, window_bounds = array<i64: 8, 2048>}, {transform_indices = @transform_2, window_bounds = array<i64: 256, 64>}]} {
    %get3A = arith.constant 0 : index
    %get3A_0 = arith.constant 0 : index
    %get3A_1 = vector.load %arg1[%get3A, %get3A_0] : memref<256x2048xf32, #tpu.memory_space<vmem>>, vector<256x2048xf32>
    %get3A_2 = arith.constant 0 : index
    %get3A_3 = arith.constant 0 : index
    %get3A_4 = vector.load %arg2[%get3A_2, %get3A_3] : memref<8x2048xf32, #tpu.memory_space<vmem>>, vector<1x2048xf32>
    %mul3A = vector.broadcast %get3A_4 : vector<1x2048xf32> to vector<256x2048xf32>
    %mul3A_5 = arith.mulf %get3A_1, %mul3A : vector<256x2048xf32>
    %get3A_6 = arith.constant 4 : index
    %get3A_7 = arith.constant 0 : index
    %get3A_8 = vector.load %arg2[%get3A_6, %get3A_7] : memref<8x2048xf32, #tpu.memory_space<vmem>>, vector<1x2048xf32>
    %add3A = vector.broadcast %get3A_8 : vector<1x2048xf32> to vector<256x2048xf32>
    %add3A_9 = arith.addf %mul3A_5, %add3A : vector<256x2048xf32>
    %max3A = arith.constant 0.000000e+00 : f32
    %max3A_10 = vector.broadcast %max3A : f32 to vector<256x2048xf32>
    %max3A_11 = arith.maximumf %add3A_9, %max3A_10 : vector<256x2048xf32>
    %slice3A = vector.extract_strided_slice %max3A_11 {offsets = [0, 0], sizes = [256, 64], strides = [1, 1]} : vector<256x2048xf32> to vector<256x64xf32>
    %slice3A_12 = vector.extract_strided_slice %max3A_11 {offsets = [0, 64], sizes = [256, 64], strides = [1, 1]} : vector<256x2048xf32> to vector<256x64xf32>
    %max3A_13 = arith.maximumf %slice3A, %slice3A_12 : vector<256x64xf32>
    %slice3A_14 = vector.extract_strided_slice %max3A_11 {offsets = [0, 128], sizes = [256, 64], strides = [1, 1]} : vector<256x2048xf32> to vector<256x64xf32>
    %max3A_15 = arith.maximumf %max3A_13, %slice3A_14 : vector<256x64xf32>
    %slice3A_16 = vector.extract_strided_slice %max3A_11 {offsets = [0, 192], sizes = [256, 64], strides = [1, 1]} : vector<256x2048xf32> to vector<256x64xf32>
    %max3A_17 = arith.maximumf %max3A_15, %slice3A_16 : vector<256x64xf32>
    %slice3A_18 = vector.extract_strided_slice %max3A_11 {offsets = [0, 256], sizes = [256, 64], strides = [1, 1]} : vector<256x2048xf32> to vector<256x64xf32>
    %max3A_19 = arith.maximumf %max3A_17, %slice3A_18 : vector<256x64xf32>
    %slice3A_20 = vector.extract_strided_slice %max3A_11 {offsets = [0, 320], sizes = [256, 64], strides = [1, 1]} : vector<256x2048xf32> to vector<256x64xf32>
    %max3A_21 = arith.maximumf %max3A_19, %slice3A_20 : vector<256x64xf32>
    %slice3A_22 = vector.extract_strided_slice %max3A_11 {offsets = [0, 384], sizes = [256, 64], strides = [1, 1]} : vector<256x2048xf32> to vector<256x64xf32>
    %max3A_23 = arith.maximumf %max3A_21, %slice3A_22 : vector<256x64xf32>
    %slice3A_24 = vector.extract_strided_slice %max3A_11 {offsets = [0, 448], sizes = [256, 64], strides = [1, 1]} : vector<256x2048xf32> to vector<256x64xf32>
    %max3A_25 = arith.maximumf %max3A_23, %slice3A_24 : vector<256x64xf32>
    %slice3A_26 = vector.extract_strided_slice %max3A_11 {offsets = [0, 512], sizes = [256, 64], strides = [1, 1]} : vector<256x2048xf32> to vector<256x64xf32>
    %max3A_27 = arith.maximumf %max3A_25, %slice3A_26 : vector<256x64xf32>
    %slice3A_28 = vector.extract_strided_slice %max3A_11 {offsets = [0, 576], sizes = [256, 64], strides = [1, 1]} : vector<256x2048xf32> to vector<256x64xf32>
    %max3A_29 = arith.maximumf %max3A_27, %slice3A_28 : vector<256x64xf32>
    %slice3A_30 = vector.extract_strided_slice %max3A_11 {offsets = [0, 640], sizes = [256, 64], strides = [1, 1]} : vector<256x2048xf32> to vector<256x64xf32>
    %max3A_31 = arith.maximumf %max3A_29, %slice3A_30 : vector<256x64xf32>
    %slice3A_32 = vector.extract_strided_slice %max3A_11 {offsets = [0, 704], sizes = [256, 64], strides = [1, 1]} : vector<256x2048xf32> to vector<256x64xf32>
    %max3A_33 = arith.maximumf %max3A_31, %slice3A_32 : vector<256x64xf32>
    %slice3A_34 = vector.extract_strided_slice %max3A_11 {offsets = [0, 768], sizes = [256, 64], strides = [1, 1]} : vector<256x2048xf32> to vector<256x64xf32>
    %max3A_35 = arith.maximumf %max3A_33, %slice3A_34 : vector<256x64xf32>
    %slice3A_36 = vector.extract_strided_slice %max3A_11 {offsets = [0, 832], sizes = [256, 64], strides = [1, 1]} : vector<256x2048xf32> to vector<256x64xf32>
    %max3A_37 = arith.maximumf %max3A_35, %slice3A_36 : vector<256x64xf32>
    %slice3A_38 = vector.extract_strided_slice %max3A_11 {offsets = [0, 896], sizes = [256, 64], strides = [1, 1]} : vector<256x2048xf32> to vector<256x64xf32>
    %max3A_39 = arith.maximumf %max3A_37, %slice3A_38 : vector<256x64xf32>
    %slice3A_40 = vector.extract_strided_slice %max3A_11 {offsets = [0, 960], sizes = [256, 64], strides = [1, 1]} : vector<256x2048xf32> to vector<256x64xf32>
    %max3A_41 = arith.maximumf %max3A_39, %slice3A_40 : vector<256x64xf32>
    %slice3A_42 = vector.extract_strided_slice %max3A_11 {offsets = [0, 1024], sizes = [256, 64], strides = [1, 1]} : vector<256x2048xf32> to vector<256x64xf32>
    %max3A_43 = arith.maximumf %max3A_41, %slice3A_42 : vector<256x64xf32>
    %slice3A_44 = vector.extract_strided_slice %max3A_11 {offsets = [0, 1088], sizes = [256, 64], strides = [1, 1]} : vector<256x2048xf32> to vector<256x64xf32>
    %max3A_45 = arith.maximumf %max3A_43, %slice3A_44 : vector<256x64xf32>
    %slice3A_46 = vector.extract_strided_slice %max3A_11 {offsets = [0, 1152], sizes = [256, 64], strides = [1, 1]} : vector<256x2048xf32> to vector<256x64xf32>
    %max3A_47 = arith.maximumf %max3A_45, %slice3A_46 : vector<256x64xf32>
    %slice3A_48 = vector.extract_strided_slice %max3A_11 {offsets = [0, 1216], sizes = [256, 64], strides = [1, 1]} : vector<256x2048xf32> to vector<256x64xf32>
    %max3A_49 = arith.maximumf %max3A_47, %slice3A_48 : vector<256x64xf32>
    %slice3A_50 = vector.extract_strided_slice %max3A_11 {offsets = [0, 1280], sizes = [256, 64], strides = [1, 1]} : vector<256x2048xf32> to vector<256x64xf32>
    %max3A_51 = arith.maximumf %max3A_49, %slice3A_50 : vector<256x64xf32>
    %slice3A_52 = vector.extract_strided_slice %max3A_11 {offsets = [0, 1344], sizes = [256, 64], strides = [1, 1]} : vector<256x2048xf32> to vector<256x64xf32>
    %max3A_53 = arith.maximumf %max3A_51, %slice3A_52 : vector<256x64xf32>
    %slice3A_54 = vector.extract_strided_slice %max3A_11 {offsets = [0, 1408], sizes = [256, 64], strides = [1, 1]} : vector<256x2048xf32> to vector<256x64xf32>
    %max3A_55 = arith.maximumf %max3A_53, %slice3A_54 : vector<256x64xf32>
    %slice3A_56 = vector.extract_strided_slice %max3A_11 {offsets = [0, 1472], sizes = [256, 64], strides = [1, 1]} : vector<256x2048xf32> to vector<256x64xf32>
    %max3A_57 = arith.maximumf %max3A_55, %slice3A_56 : vector<256x64xf32>
    %slice3A_58 = vector.extract_strided_slice %max3A_11 {offsets = [0, 1536], sizes = [256, 64], strides = [1, 1]} : vector<256x2048xf32> to vector<256x64xf32>
    %max3A_59 = arith.maximumf %max3A_57, %slice3A_58 : vector<256x64xf32>
    %slice3A_60 = vector.extract_strided_slice %max3A_11 {offsets = [0, 1600], sizes = [256, 64], strides = [1, 1]} : vector<256x2048xf32> to vector<256x64xf32>
    %max3A_61 = arith.maximumf %max3A_59, %slice3A_60 : vector<256x64xf32>
    %slice3A_62 = vector.extract_strided_slice %max3A_11 {offsets = [0, 1664], sizes = [256, 64], strides = [1, 1]} : vector<256x2048xf32> to vector<256x64xf32>
    %max3A_63 = arith.maximumf %max3A_61, %slice3A_62 : vector<256x64xf32>
    %slice3A_64 = vector.extract_strided_slice %max3A_11 {offsets = [0, 1728], sizes = [256, 64], strides = [1, 1]} : vector<256x2048xf32> to vector<256x64xf32>
    %max3A_65 = arith.maximumf %max3A_63, %slice3A_64 : vector<256x64xf32>
    %slice3A_66 = vector.extract_strided_slice %max3A_11 {offsets = [0, 1792], sizes = [256, 64], strides = [1, 1]} : vector<256x2048xf32> to vector<256x64xf32>
    %max3A_67 = arith.maximumf %max3A_65, %slice3A_66 : vector<256x64xf32>
    %slice3A_68 = vector.extract_strided_slice %max3A_11 {offsets = [0, 1856], sizes = [256, 64], strides = [1, 1]} : vector<256x2048xf32> to vector<256x64xf32>
    %max3A_69 = arith.maximumf %max3A_67, %slice3A_68 : vector<256x64xf32>
    %slice3A_70 = vector.extract_strided_slice %max3A_11 {offsets = [0, 1920], sizes = [256, 64], strides = [1, 1]} : vector<256x2048xf32> to vector<256x64xf32>
    %max3A_71 = arith.maximumf %max3A_69, %slice3A_70 : vector<256x64xf32>
    %slice3A_72 = vector.extract_strided_slice %max3A_11 {offsets = [0, 1984], sizes = [256, 64], strides = [1, 1]} : vector<256x2048xf32> to vector<256x64xf32>
    %max3A_73 = arith.maximumf %max3A_71, %slice3A_72 : vector<256x64xf32>
    %swap3A = arith.constant 0 : index
    %swap3A_74 = arith.constant 0 : index
    %swap3A_75 = vector.load %arg3[%swap3A, %swap3A_74] : memref<256x64xf32, #tpu.memory_space<vmem>>, vector<256x64xf32>
    tpu.vector_store %arg3[%swap3A, %swap3A_74], %max3A_73 {strides = array<i32>} : memref<256x64xf32, #tpu.memory_space<vmem>>, vector<256x64xf32>,
    return
  }
  func.func @transform_0(%arg0: i32) -> (i32, i32) {
    %c0_i32 = arith.constant 0 : i32
    %c0_i32_0 = arith.constant 0 : i32
    return %arg0, %c0_i32 : i32, i32
  }
  func.func @transform_1(%arg0: i32) -> (i32, i32) {
    %c0_i32 = arith.constant 0 : i32
    %c0_i32_0 = arith.constant 0 : i32
    %c0_i32_1 = arith.constant 0 : i32
    return %c0_i32, %c0_i32_0 : i32, i32
  }
  func.func @transform_2(%arg0: i32) -> (i32, i32) {
    %c0_i32 = arith.constant 0 : i32
    %c0_i32_0 = arith.constant 0 : i32
    return %arg0, %c0_i32 : i32, i32
  }
}

module attributes {stable_mosaic.version = 14 : i64} {
  func.func @_mm_body(%arg0: i32, %arg1: memref<1024x80xf32, #tpu.memory_space<vmem>>, %arg2: memref<1024x80xf32, #tpu.memory_space<vmem>>, %arg3: memref<80x64xf32, #tpu.memory_space<vmem>>, %arg4: memref<8x64xf32, #tpu.memory_space<vmem>>, %arg5: memref<1024x64xf32, #tpu.memory_space<vmem>>, %arg6: memref<1x2x64xf32, #tpu.memory_space<vmem>>) attributes {dimension_semantics = [#tpu.dimension_semantics<arbitrary>], iteration_bounds = array<i64: 64>, scalar_prefetch = 0 : i64, scratch_operands = 0 : i64, tpu.core_type = #tpu.core_type<tc>, window_params = [{transform_indices = @transform_0, window_bounds = array<i64: 1024, 80>}, {transform_indices = @transform_1, window_bounds = array<i64: 1024, 80>}, {pipeline_mode = #tpu.pipeline_mode<synchronous>, transform_indices = @transform_2, window_bounds = array<i64: 80, 64>}, {pipeline_mode = #tpu.pipeline_mode<synchronous>, transform_indices = @transform_3, window_bounds = array<i64: 8, 64>}, {transform_indices = @transform_4, window_bounds = array<i64: 1024, 64>}, {transform_indices = @transform_5, window_bounds = array<i64: 1, 2, 64>}]} {
    %get3A = arith.constant 0 : index
    %get3A_0 = arith.constant 0 : index
    %get3A_1 = vector.load %arg1[%get3A, %get3A_0] : memref<1024x80xf32, #tpu.memory_space<vmem>>, vector<1024x80xf32>
    %get3A_2 = arith.constant 0 : index
    %get3A_3 = arith.constant 0 : index
    %get3A_4 = vector.load %arg2[%get3A_2, %get3A_3] : memref<1024x80xf32, #tpu.memory_space<vmem>>, vector<1024x80xf32>
    %sub3A = arith.subf %get3A_1, %get3A_4 : vector<1024x80xf32>
    %get3A_5 = arith.constant 0 : index
    %get3A_6 = arith.constant 0 : index
    %get3A_7 = vector.load %arg3[%get3A_5, %get3A_6] : memref<80x64xf32, #tpu.memory_space<vmem>>, vector<80x64xf32>
    %dot_general3A = arith.constant dense<0.000000e+00> : vector<1024x64xf32>
    %dot_general3A_8 = tpu.matmul %sub3A, %get3A_7, %dot_general3A {dimension_numbers = #tpu.dot_dimension_numbers<[1], [0], [0], [1], [0, 0, 1, 1], [], []>, transpose_lhs_hint = false} : vector<1024x80xf32>, vector<80x64xf32>, vector<1024x64xf32> -> vector<1024x64xf32>
    %get3A_9 = arith.constant 0 : index
    %get3A_10 = arith.constant 0 : index
    %get3A_11 = vector.load %arg4[%get3A_9, %get3A_10] : memref<8x64xf32, #tpu.memory_space<vmem>>, vector<1x64xf32>
    %add3A = vector.broadcast %get3A_11 : vector<1x64xf32> to vector<1024x64xf32>
    %add3A_12 = arith.addf %dot_general3A_8, %add3A : vector<1024x64xf32>
    %swap3A = arith.constant 0 : index
    %swap3A_13 = arith.constant 0 : index
    %swap3A_14 = vector.load %arg5[%swap3A, %swap3A_13] : memref<1024x64xf32, #tpu.memory_space<vmem>>, vector<1024x64xf32>
    tpu.vector_store %arg5[%swap3A, %swap3A_13], %add3A_12 {strides = array<i32>} : memref<1024x64xf32, #tpu.memory_space<vmem>>, vector<1024x64xf32>,
    %reduce_sum3A = arith.constant dense<0.000000e+00> : vector<64xf32>
    %reduce_sum3A_15 = vector.multi_reduction <add>, %add3A_12, %reduce_sum3A [0] : vector<1024x64xf32> to vector<64xf32>
    %broadcast_in_dim3A = vector.shape_cast %reduce_sum3A_15 : vector<64xf32> to vector<1x64xf32>
    %swap3A_16 = arith.constant 0 : index
    %swap3A_17 = arith.constant 0 : index
    %swap3A_18 = arith.constant 0 : index
    %swap3A_19 = vector.load %arg6[%swap3A_16, %swap3A_17, %swap3A_18] : memref<1x2x64xf32, #tpu.memory_space<vmem>>, vector<1x1x64xf32>
    %swap3A_20 = vector.shape_cast %swap3A_19 : vector<1x1x64xf32> to vector<1x64xf32>
    %swap3A_21 = vector.shape_cast %broadcast_in_dim3A : vector<1x64xf32> to vector<1x1x64xf32>
    tpu.vector_store %arg6[%swap3A_16, %swap3A_17, %swap3A_18], %swap3A_21 {strides = array<i32>} : memref<1x2x64xf32, #tpu.memory_space<vmem>>, vector<1x1x64xf32>,
    %mul3A = arith.mulf %add3A_12, %add3A_12 : vector<1024x64xf32>
    %reduce_sum3A_22 = arith.constant dense<0.000000e+00> : vector<64xf32>
    %reduce_sum3A_23 = vector.multi_reduction <add>, %mul3A, %reduce_sum3A_22 [0] : vector<1024x64xf32> to vector<64xf32>
    %broadcast_in_dim3A_24 = vector.shape_cast %reduce_sum3A_23 : vector<64xf32> to vector<1x64xf32>
    %swap3A_25 = arith.constant 0 : index
    %swap3A_26 = arith.constant 1 : index
    %swap3A_27 = arith.constant 0 : index
    %swap3A_28 = vector.load %arg6[%swap3A_25, %swap3A_26, %swap3A_27] : memref<1x2x64xf32, #tpu.memory_space<vmem>>, vector<1x1x64xf32>
    %swap3A_29 = vector.shape_cast %swap3A_28 : vector<1x1x64xf32> to vector<1x64xf32>
    %swap3A_30 = vector.shape_cast %broadcast_in_dim3A_24 : vector<1x64xf32> to vector<1x1x64xf32>
    tpu.vector_store %arg6[%swap3A_25, %swap3A_26, %swap3A_27], %swap3A_30 {strides = array<i32>} : memref<1x2x64xf32, #tpu.memory_space<vmem>>, vector<1x1x64xf32>,
    return
  }
  func.func @transform_0(%arg0: i32) -> (i32, i32) {
    %c0_i32 = arith.constant 0 : i32
    %c0_i32_0 = arith.constant 0 : i32
    return %arg0, %c0_i32 : i32, i32
  }
  func.func @transform_1(%arg0: i32) -> (i32, i32) {
    %c0_i32 = arith.constant 0 : i32
    %c0_i32_0 = arith.constant 0 : i32
    return %arg0, %c0_i32 : i32, i32
  }
  func.func @transform_2(%arg0: i32) -> (i32, i32) {
    %c0_i32 = arith.constant 0 : i32
    %c0_i32_0 = arith.constant 0 : i32
    %c0_i32_1 = arith.constant 0 : i32
    return %c0_i32, %c0_i32_0 : i32, i32
  }
  func.func @transform_3(%arg0: i32) -> (i32, i32) {
    %c0_i32 = arith.constant 0 : i32
    %c0_i32_0 = arith.constant 0 : i32
    %c0_i32_1 = arith.constant 0 : i32
    return %c0_i32, %c0_i32_0 : i32, i32
  }
  func.func @transform_4(%arg0: i32) -> (i32, i32) {
    %c0_i32 = arith.constant 0 : i32
    %c0_i32_0 = arith.constant 0 : i32
    return %arg0, %c0_i32 : i32, i32
  }
  func.func @transform_5(%arg0: i32) -> (i32, i32, i32) {
    %c0_i32 = arith.constant 0 : i32
    %c0_i32_0 = arith.constant 0 : i32
    %c0_i32_1 = arith.constant 0 : i32
    return %arg0, %c0_i32, %c0_i32_0 : i32, i32, i32
  }
}

module attributes {stable_mosaic.version = 14 : i64} {
  func.func @_mm_body(%arg0: i32, %arg1: memref<1024x64xf32, #tpu.memory_space<vmem>>, %arg2: memref<8x64xf32, #tpu.memory_space<vmem>>, %arg3: memref<64x64xf32, #tpu.memory_space<vmem>>, %arg4: memref<8x64xf32, #tpu.memory_space<vmem>>, %arg5: memref<1024x64xf32, #tpu.memory_space<vmem>>, %arg6: memref<1x2x64xf32, #tpu.memory_space<vmem>>) attributes {dimension_semantics = [#tpu.dimension_semantics<arbitrary>], iteration_bounds = array<i64: 64>, scalar_prefetch = 0 : i64, scratch_operands = 0 : i64, tpu.core_type = #tpu.core_type<tc>, window_params = [{transform_indices = @transform_0, window_bounds = array<i64: 1024, 64>}, {pipeline_mode = #tpu.pipeline_mode<synchronous>, transform_indices = @transform_1, window_bounds = array<i64: 8, 64>}, {pipeline_mode = #tpu.pipeline_mode<synchronous>, transform_indices = @transform_2, window_bounds = array<i64: 64, 64>}, {pipeline_mode = #tpu.pipeline_mode<synchronous>, transform_indices = @transform_3, window_bounds = array<i64: 8, 64>}, {transform_indices = @transform_4, window_bounds = array<i64: 1024, 64>}, {transform_indices = @transform_5, window_bounds = array<i64: 1, 2, 64>}]} {
    %get3A = arith.constant 0 : index
    %get3A_0 = arith.constant 0 : index
    %get3A_1 = vector.load %arg1[%get3A, %get3A_0] : memref<1024x64xf32, #tpu.memory_space<vmem>>, vector<1024x64xf32>
    %get3A_2 = arith.constant 0 : index
    %get3A_3 = arith.constant 0 : index
    %get3A_4 = vector.load %arg2[%get3A_2, %get3A_3] : memref<8x64xf32, #tpu.memory_space<vmem>>, vector<1x64xf32>
    %mul3A = vector.broadcast %get3A_4 : vector<1x64xf32> to vector<1024x64xf32>
    %mul3A_5 = arith.mulf %get3A_1, %mul3A : vector<1024x64xf32>
    %get3A_6 = arith.constant 4 : index
    %get3A_7 = arith.constant 0 : index
    %get3A_8 = vector.load %arg2[%get3A_6, %get3A_7] : memref<8x64xf32, #tpu.memory_space<vmem>>, vector<1x64xf32>
    %add3A = vector.broadcast %get3A_8 : vector<1x64xf32> to vector<1024x64xf32>
    %add3A_9 = arith.addf %mul3A_5, %add3A : vector<1024x64xf32>
    %max3A = arith.constant 0.000000e+00 : f32
    %max3A_10 = vector.broadcast %max3A : f32 to vector<1024x64xf32>
    %max3A_11 = arith.maximumf %add3A_9, %max3A_10 : vector<1024x64xf32>
    %get3A_12 = arith.constant 0 : index
    %get3A_13 = arith.constant 0 : index
    %get3A_14 = vector.load %arg3[%get3A_12, %get3A_13] : memref<64x64xf32, #tpu.memory_space<vmem>>, vector<64x64xf32>
    %dot_general3A = arith.constant dense<0.000000e+00> : vector<1024x64xf32>
    %dot_general3A_15 = tpu.matmul %max3A_11, %get3A_14, %dot_general3A {dimension_numbers = #tpu.dot_dimension_numbers<[1], [0], [0], [1], [0, 0, 1, 1], [], []>, transpose_lhs_hint = false} : vector<1024x64xf32>, vector<64x64xf32>, vector<1024x64xf32> -> vector<1024x64xf32>
    %get3A_16 = arith.constant 0 : index
    %get3A_17 = arith.constant 0 : index
    %get3A_18 = vector.load %arg4[%get3A_16, %get3A_17] : memref<8x64xf32, #tpu.memory_space<vmem>>, vector<1x64xf32>
    %add3A_19 = vector.broadcast %get3A_18 : vector<1x64xf32> to vector<1024x64xf32>
    %add3A_20 = arith.addf %dot_general3A_15, %add3A_19 : vector<1024x64xf32>
    %swap3A = arith.constant 0 : index
    %swap3A_21 = arith.constant 0 : index
    %swap3A_22 = vector.load %arg5[%swap3A, %swap3A_21] : memref<1024x64xf32, #tpu.memory_space<vmem>>, vector<1024x64xf32>
    tpu.vector_store %arg5[%swap3A, %swap3A_21], %add3A_20 {strides = array<i32>} : memref<1024x64xf32, #tpu.memory_space<vmem>>, vector<1024x64xf32>,
    %reduce_sum3A = arith.constant dense<0.000000e+00> : vector<64xf32>
    %reduce_sum3A_23 = vector.multi_reduction <add>, %add3A_20, %reduce_sum3A [0] : vector<1024x64xf32> to vector<64xf32>
    %broadcast_in_dim3A = vector.shape_cast %reduce_sum3A_23 : vector<64xf32> to vector<1x64xf32>
    %swap3A_24 = arith.constant 0 : index
    %swap3A_25 = arith.constant 0 : index
    %swap3A_26 = arith.constant 0 : index
    %swap3A_27 = vector.load %arg6[%swap3A_24, %swap3A_25, %swap3A_26] : memref<1x2x64xf32, #tpu.memory_space<vmem>>, vector<1x1x64xf32>
    %swap3A_28 = vector.shape_cast %swap3A_27 : vector<1x1x64xf32> to vector<1x64xf32>
    %swap3A_29 = vector.shape_cast %broadcast_in_dim3A : vector<1x64xf32> to vector<1x1x64xf32>
    tpu.vector_store %arg6[%swap3A_24, %swap3A_25, %swap3A_26], %swap3A_29 {strides = array<i32>} : memref<1x2x64xf32, #tpu.memory_space<vmem>>, vector<1x1x64xf32>,
    %mul3A_30 = arith.mulf %add3A_20, %add3A_20 : vector<1024x64xf32>
    %reduce_sum3A_31 = arith.constant dense<0.000000e+00> : vector<64xf32>
    %reduce_sum3A_32 = vector.multi_reduction <add>, %mul3A_30, %reduce_sum3A_31 [0] : vector<1024x64xf32> to vector<64xf32>
    %broadcast_in_dim3A_33 = vector.shape_cast %reduce_sum3A_32 : vector<64xf32> to vector<1x64xf32>
    %swap3A_34 = arith.constant 0 : index
    %swap3A_35 = arith.constant 1 : index
    %swap3A_36 = arith.constant 0 : index
    %swap3A_37 = vector.load %arg6[%swap3A_34, %swap3A_35, %swap3A_36] : memref<1x2x64xf32, #tpu.memory_space<vmem>>, vector<1x1x64xf32>
    %swap3A_38 = vector.shape_cast %swap3A_37 : vector<1x1x64xf32> to vector<1x64xf32>
    %swap3A_39 = vector.shape_cast %broadcast_in_dim3A_33 : vector<1x64xf32> to vector<1x1x64xf32>
    tpu.vector_store %arg6[%swap3A_34, %swap3A_35, %swap3A_36], %swap3A_39 {strides = array<i32>} : memref<1x2x64xf32, #tpu.memory_space<vmem>>, vector<1x1x64xf32>,
    return
  }
  func.func @transform_0(%arg0: i32) -> (i32, i32) {
    %c0_i32 = arith.constant 0 : i32
    %c0_i32_0 = arith.constant 0 : i32
    return %arg0, %c0_i32 : i32, i32
  }
  func.func @transform_1(%arg0: i32) -> (i32, i32) {
    %c0_i32 = arith.constant 0 : i32
    %c0_i32_0 = arith.constant 0 : i32
    %c0_i32_1 = arith.constant 0 : i32
    return %c0_i32, %c0_i32_0 : i32, i32
  }
  func.func @transform_2(%arg0: i32) -> (i32, i32) {
    %c0_i32 = arith.constant 0 : i32
    %c0_i32_0 = arith.constant 0 : i32
    %c0_i32_1 = arith.constant 0 : i32
    return %c0_i32, %c0_i32_0 : i32, i32
  }
  func.func @transform_3(%arg0: i32) -> (i32, i32) {
    %c0_i32 = arith.constant 0 : i32
    %c0_i32_0 = arith.constant 0 : i32
    %c0_i32_1 = arith.constant 0 : i32
    return %c0_i32, %c0_i32_0 : i32, i32
  }
  func.func @transform_4(%arg0: i32) -> (i32, i32) {
    %c0_i32 = arith.constant 0 : i32
    %c0_i32_0 = arith.constant 0 : i32
    return %arg0, %c0_i32 : i32, i32
  }
  func.func @transform_5(%arg0: i32) -> (i32, i32, i32) {
    %c0_i32 = arith.constant 0 : i32
    %c0_i32_0 = arith.constant 0 : i32
    %c0_i32_1 = arith.constant 0 : i32
    return %arg0, %c0_i32, %c0_i32_0 : i32, i32, i32
  }
}

module attributes {stable_mosaic.version = 14 : i64} {
  func.func @_mm_body(%arg0: i32, %arg1: memref<1024x64xf32, #tpu.memory_space<vmem>>, %arg2: memref<8x64xf32, #tpu.memory_space<vmem>>, %arg3: memref<64x128xf32, #tpu.memory_space<vmem>>, %arg4: memref<8x128xf32, #tpu.memory_space<vmem>>, %arg5: memref<1024x128xf32, #tpu.memory_space<vmem>>, %arg6: memref<1x2x128xf32, #tpu.memory_space<vmem>>) attributes {dimension_semantics = [#tpu.dimension_semantics<arbitrary>], iteration_bounds = array<i64: 64>, scalar_prefetch = 0 : i64, scratch_operands = 0 : i64, tpu.core_type = #tpu.core_type<tc>, window_params = [{transform_indices = @transform_0, window_bounds = array<i64: 1024, 64>}, {pipeline_mode = #tpu.pipeline_mode<synchronous>, transform_indices = @transform_1, window_bounds = array<i64: 8, 64>}, {pipeline_mode = #tpu.pipeline_mode<synchronous>, transform_indices = @transform_2, window_bounds = array<i64: 64, 128>}, {pipeline_mode = #tpu.pipeline_mode<synchronous>, transform_indices = @transform_3, window_bounds = array<i64: 8, 128>}, {transform_indices = @transform_4, window_bounds = array<i64: 1024, 128>}, {transform_indices = @transform_5, window_bounds = array<i64: 1, 2, 128>}]} {
    %get3A = arith.constant 0 : index
    %get3A_0 = arith.constant 0 : index
    %get3A_1 = vector.load %arg1[%get3A, %get3A_0] : memref<1024x64xf32, #tpu.memory_space<vmem>>, vector<1024x64xf32>
    %get3A_2 = arith.constant 0 : index
    %get3A_3 = arith.constant 0 : index
    %get3A_4 = vector.load %arg2[%get3A_2, %get3A_3] : memref<8x64xf32, #tpu.memory_space<vmem>>, vector<1x64xf32>
    %mul3A = vector.broadcast %get3A_4 : vector<1x64xf32> to vector<1024x64xf32>
    %mul3A_5 = arith.mulf %get3A_1, %mul3A : vector<1024x64xf32>
    %get3A_6 = arith.constant 4 : index
    %get3A_7 = arith.constant 0 : index
    %get3A_8 = vector.load %arg2[%get3A_6, %get3A_7] : memref<8x64xf32, #tpu.memory_space<vmem>>, vector<1x64xf32>
    %add3A = vector.broadcast %get3A_8 : vector<1x64xf32> to vector<1024x64xf32>
    %add3A_9 = arith.addf %mul3A_5, %add3A : vector<1024x64xf32>
    %max3A = arith.constant 0.000000e+00 : f32
    %max3A_10 = vector.broadcast %max3A : f32 to vector<1024x64xf32>
    %max3A_11 = arith.maximumf %add3A_9, %max3A_10 : vector<1024x64xf32>
    %get3A_12 = arith.constant 0 : index
    %get3A_13 = arith.constant 0 : index
    %get3A_14 = vector.load %arg3[%get3A_12, %get3A_13] : memref<64x128xf32, #tpu.memory_space<vmem>>, vector<64x128xf32>
    %dot_general3A = arith.constant dense<0.000000e+00> : vector<1024x128xf32>
    %dot_general3A_15 = tpu.matmul %max3A_11, %get3A_14, %dot_general3A {dimension_numbers = #tpu.dot_dimension_numbers<[1], [0], [0], [1], [0, 0, 1, 1], [], []>, transpose_lhs_hint = false} : vector<1024x64xf32>, vector<64x128xf32>, vector<1024x128xf32> -> vector<1024x128xf32>
    %get3A_16 = arith.constant 0 : index
    %get3A_17 = arith.constant 0 : index
    %get3A_18 = vector.load %arg4[%get3A_16, %get3A_17] : memref<8x128xf32, #tpu.memory_space<vmem>>, vector<1x128xf32>
    %add3A_19 = vector.broadcast %get3A_18 : vector<1x128xf32> to vector<1024x128xf32>
    %add3A_20 = arith.addf %dot_general3A_15, %add3A_19 : vector<1024x128xf32>
    %swap3A = arith.constant 0 : index
    %swap3A_21 = arith.constant 0 : index
    %swap3A_22 = vector.load %arg5[%swap3A, %swap3A_21] : memref<1024x128xf32, #tpu.memory_space<vmem>>, vector<1024x128xf32>
    tpu.vector_store %arg5[%swap3A, %swap3A_21], %add3A_20 {strides = array<i32>} : memref<1024x128xf32, #tpu.memory_space<vmem>>, vector<1024x128xf32>,
    %reduce_sum3A = arith.constant dense<0.000000e+00> : vector<128xf32>
    %reduce_sum3A_23 = vector.multi_reduction <add>, %add3A_20, %reduce_sum3A [0] : vector<1024x128xf32> to vector<128xf32>
    %broadcast_in_dim3A = vector.shape_cast %reduce_sum3A_23 : vector<128xf32> to vector<1x128xf32>
    %swap3A_24 = arith.constant 0 : index
    %swap3A_25 = arith.constant 0 : index
    %swap3A_26 = arith.constant 0 : index
    %swap3A_27 = vector.load %arg6[%swap3A_24, %swap3A_25, %swap3A_26] : memref<1x2x128xf32, #tpu.memory_space<vmem>>, vector<1x1x128xf32>
    %swap3A_28 = vector.shape_cast %swap3A_27 : vector<1x1x128xf32> to vector<1x128xf32>
    %swap3A_29 = vector.shape_cast %broadcast_in_dim3A : vector<1x128xf32> to vector<1x1x128xf32>
    tpu.vector_store %arg6[%swap3A_24, %swap3A_25, %swap3A_26], %swap3A_29 {strides = array<i32>} : memref<1x2x128xf32, #tpu.memory_space<vmem>>, vector<1x1x128xf32>,
    %mul3A_30 = arith.mulf %add3A_20, %add3A_20 : vector<1024x128xf32>
    %reduce_sum3A_31 = arith.constant dense<0.000000e+00> : vector<128xf32>
    %reduce_sum3A_32 = vector.multi_reduction <add>, %mul3A_30, %reduce_sum3A_31 [0] : vector<1024x128xf32> to vector<128xf32>
    %broadcast_in_dim3A_33 = vector.shape_cast %reduce_sum3A_32 : vector<128xf32> to vector<1x128xf32>
    %swap3A_34 = arith.constant 0 : index
    %swap3A_35 = arith.constant 1 : index
    %swap3A_36 = arith.constant 0 : index
    %swap3A_37 = vector.load %arg6[%swap3A_34, %swap3A_35, %swap3A_36] : memref<1x2x128xf32, #tpu.memory_space<vmem>>, vector<1x1x128xf32>
    %swap3A_38 = vector.shape_cast %swap3A_37 : vector<1x1x128xf32> to vector<1x128xf32>
    %swap3A_39 = vector.shape_cast %broadcast_in_dim3A_33 : vector<1x128xf32> to vector<1x1x128xf32>
    tpu.vector_store %arg6[%swap3A_34, %swap3A_35, %swap3A_36], %swap3A_39 {strides = array<i32>} : memref<1x2x128xf32, #tpu.memory_space<vmem>>, vector<1x1x128xf32>,
    return
  }
  func.func @transform_0(%arg0: i32) -> (i32, i32) {
    %c0_i32 = arith.constant 0 : i32
    %c0_i32_0 = arith.constant 0 : i32
    return %arg0, %c0_i32 : i32, i32
  }
  func.func @transform_1(%arg0: i32) -> (i32, i32) {
    %c0_i32 = arith.constant 0 : i32
    %c0_i32_0 = arith.constant 0 : i32
    %c0_i32_1 = arith.constant 0 : i32
    return %c0_i32, %c0_i32_0 : i32, i32
  }
  func.func @transform_2(%arg0: i32) -> (i32, i32) {
    %c0_i32 = arith.constant 0 : i32
    %c0_i32_0 = arith.constant 0 : i32
    %c0_i32_1 = arith.constant 0 : i32
    return %c0_i32, %c0_i32_0 : i32, i32
  }
  func.func @transform_3(%arg0: i32) -> (i32, i32) {
    %c0_i32 = arith.constant 0 : i32
    %c0_i32_0 = arith.constant 0 : i32
    %c0_i32_1 = arith.constant 0 : i32
    return %c0_i32, %c0_i32_0 : i32, i32
  }
  func.func @transform_4(%arg0: i32) -> (i32, i32) {
    %c0_i32 = arith.constant 0 : i32
    %c0_i32_0 = arith.constant 0 : i32
    return %arg0, %c0_i32 : i32, i32
  }
  func.func @transform_5(%arg0: i32) -> (i32, i32, i32) {
    %c0_i32 = arith.constant 0 : i32
    %c0_i32_0 = arith.constant 0 : i32
    %c0_i32_1 = arith.constant 0 : i32
    return %arg0, %c0_i32, %c0_i32_0 : i32, i32, i32
  }
}

module attributes {stable_mosaic.version = 14 : i64} {
  func.func @_pool_body(%arg0: i32, %arg1: memref<256x4096xf32, #tpu.memory_space<vmem>>, %arg2: memref<8x4096xf32, #tpu.memory_space<vmem>>, %arg3: memref<256x128xf32, #tpu.memory_space<vmem>>) attributes {dimension_semantics = [#tpu.dimension_semantics<arbitrary>], iteration_bounds = array<i64: 8>, scalar_prefetch = 0 : i64, scratch_operands = 0 : i64, tpu.core_type = #tpu.core_type<tc>, window_params = [{transform_indices = @transform_0, window_bounds = array<i64: 256, 4096>}, {pipeline_mode = #tpu.pipeline_mode<synchronous>, transform_indices = @transform_1, window_bounds = array<i64: 8, 4096>}, {transform_indices = @transform_2, window_bounds = array<i64: 256, 128>}]} {
    %get3A = arith.constant 0 : index
    %get3A_0 = arith.constant 0 : index
    %get3A_1 = vector.load %arg1[%get3A, %get3A_0] : memref<256x4096xf32, #tpu.memory_space<vmem>>, vector<256x4096xf32>
    %get3A_2 = arith.constant 0 : index
    %get3A_3 = arith.constant 0 : index
    %get3A_4 = vector.load %arg2[%get3A_2, %get3A_3] : memref<8x4096xf32, #tpu.memory_space<vmem>>, vector<1x4096xf32>
    %mul3A = vector.broadcast %get3A_4 : vector<1x4096xf32> to vector<256x4096xf32>
    %mul3A_5 = arith.mulf %get3A_1, %mul3A : vector<256x4096xf32>
    %get3A_6 = arith.constant 4 : index
    %get3A_7 = arith.constant 0 : index
    %get3A_8 = vector.load %arg2[%get3A_6, %get3A_7] : memref<8x4096xf32, #tpu.memory_space<vmem>>, vector<1x4096xf32>
    %add3A = vector.broadcast %get3A_8 : vector<1x4096xf32> to vector<256x4096xf32>
    %add3A_9 = arith.addf %mul3A_5, %add3A : vector<256x4096xf32>
    %max3A = arith.constant 0.000000e+00 : f32
    %max3A_10 = vector.broadcast %max3A : f32 to vector<256x4096xf32>
    %max3A_11 = arith.maximumf %add3A_9, %max3A_10 : vector<256x4096xf32>
    %slice3A = vector.extract_strided_slice %max3A_11 {offsets = [0, 0], sizes = [256, 128], strides = [1, 1]} : vector<256x4096xf32> to vector<256x128xf32>
    %slice3A_12 = vector.extract_strided_slice %max3A_11 {offsets = [0, 128], sizes = [256, 128], strides = [1, 1]} : vector<256x4096xf32> to vector<256x128xf32>
    %max3A_13 = arith.maximumf %slice3A, %slice3A_12 : vector<256x128xf32>
    %slice3A_14 = vector.extract_strided_slice %max3A_11 {offsets = [0, 256], sizes = [256, 128], strides = [1, 1]} : vector<256x4096xf32> to vector<256x128xf32>
    %max3A_15 = arith.maximumf %max3A_13, %slice3A_14 : vector<256x128xf32>
    %slice3A_16 = vector.extract_strided_slice %max3A_11 {offsets = [0, 384], sizes = [256, 128], strides = [1, 1]} : vector<256x4096xf32> to vector<256x128xf32>
    %max3A_17 = arith.maximumf %max3A_15, %slice3A_16 : vector<256x128xf32>
    %slice3A_18 = vector.extract_strided_slice %max3A_11 {offsets = [0, 512], sizes = [256, 128], strides = [1, 1]} : vector<256x4096xf32> to vector<256x128xf32>
    %max3A_19 = arith.maximumf %max3A_17, %slice3A_18 : vector<256x128xf32>
    %slice3A_20 = vector.extract_strided_slice %max3A_11 {offsets = [0, 640], sizes = [256, 128], strides = [1, 1]} : vector<256x4096xf32> to vector<256x128xf32>
    %max3A_21 = arith.maximumf %max3A_19, %slice3A_20 : vector<256x128xf32>
    %slice3A_22 = vector.extract_strided_slice %max3A_11 {offsets = [0, 768], sizes = [256, 128], strides = [1, 1]} : vector<256x4096xf32> to vector<256x128xf32>
    %max3A_23 = arith.maximumf %max3A_21, %slice3A_22 : vector<256x128xf32>
    %slice3A_24 = vector.extract_strided_slice %max3A_11 {offsets = [0, 896], sizes = [256, 128], strides = [1, 1]} : vector<256x4096xf32> to vector<256x128xf32>
    %max3A_25 = arith.maximumf %max3A_23, %slice3A_24 : vector<256x128xf32>
    %slice3A_26 = vector.extract_strided_slice %max3A_11 {offsets = [0, 1024], sizes = [256, 128], strides = [1, 1]} : vector<256x4096xf32> to vector<256x128xf32>
    %max3A_27 = arith.maximumf %max3A_25, %slice3A_26 : vector<256x128xf32>
    %slice3A_28 = vector.extract_strided_slice %max3A_11 {offsets = [0, 1152], sizes = [256, 128], strides = [1, 1]} : vector<256x4096xf32> to vector<256x128xf32>
    %max3A_29 = arith.maximumf %max3A_27, %slice3A_28 : vector<256x128xf32>
    %slice3A_30 = vector.extract_strided_slice %max3A_11 {offsets = [0, 1280], sizes = [256, 128], strides = [1, 1]} : vector<256x4096xf32> to vector<256x128xf32>
    %max3A_31 = arith.maximumf %max3A_29, %slice3A_30 : vector<256x128xf32>
    %slice3A_32 = vector.extract_strided_slice %max3A_11 {offsets = [0, 1408], sizes = [256, 128], strides = [1, 1]} : vector<256x4096xf32> to vector<256x128xf32>
    %max3A_33 = arith.maximumf %max3A_31, %slice3A_32 : vector<256x128xf32>
    %slice3A_34 = vector.extract_strided_slice %max3A_11 {offsets = [0, 1536], sizes = [256, 128], strides = [1, 1]} : vector<256x4096xf32> to vector<256x128xf32>
    %max3A_35 = arith.maximumf %max3A_33, %slice3A_34 : vector<256x128xf32>
    %slice3A_36 = vector.extract_strided_slice %max3A_11 {offsets = [0, 1664], sizes = [256, 128], strides = [1, 1]} : vector<256x4096xf32> to vector<256x128xf32>
    %max3A_37 = arith.maximumf %max3A_35, %slice3A_36 : vector<256x128xf32>
    %slice3A_38 = vector.extract_strided_slice %max3A_11 {offsets = [0, 1792], sizes = [256, 128], strides = [1, 1]} : vector<256x4096xf32> to vector<256x128xf32>
    %max3A_39 = arith.maximumf %max3A_37, %slice3A_38 : vector<256x128xf32>
    %slice3A_40 = vector.extract_strided_slice %max3A_11 {offsets = [0, 1920], sizes = [256, 128], strides = [1, 1]} : vector<256x4096xf32> to vector<256x128xf32>
    %max3A_41 = arith.maximumf %max3A_39, %slice3A_40 : vector<256x128xf32>
    %slice3A_42 = vector.extract_strided_slice %max3A_11 {offsets = [0, 2048], sizes = [256, 128], strides = [1, 1]} : vector<256x4096xf32> to vector<256x128xf32>
    %max3A_43 = arith.maximumf %max3A_41, %slice3A_42 : vector<256x128xf32>
    %slice3A_44 = vector.extract_strided_slice %max3A_11 {offsets = [0, 2176], sizes = [256, 128], strides = [1, 1]} : vector<256x4096xf32> to vector<256x128xf32>
    %max3A_45 = arith.maximumf %max3A_43, %slice3A_44 : vector<256x128xf32>
    %slice3A_46 = vector.extract_strided_slice %max3A_11 {offsets = [0, 2304], sizes = [256, 128], strides = [1, 1]} : vector<256x4096xf32> to vector<256x128xf32>
    %max3A_47 = arith.maximumf %max3A_45, %slice3A_46 : vector<256x128xf32>
    %slice3A_48 = vector.extract_strided_slice %max3A_11 {offsets = [0, 2432], sizes = [256, 128], strides = [1, 1]} : vector<256x4096xf32> to vector<256x128xf32>
    %max3A_49 = arith.maximumf %max3A_47, %slice3A_48 : vector<256x128xf32>
    %slice3A_50 = vector.extract_strided_slice %max3A_11 {offsets = [0, 2560], sizes = [256, 128], strides = [1, 1]} : vector<256x4096xf32> to vector<256x128xf32>
    %max3A_51 = arith.maximumf %max3A_49, %slice3A_50 : vector<256x128xf32>
    %slice3A_52 = vector.extract_strided_slice %max3A_11 {offsets = [0, 2688], sizes = [256, 128], strides = [1, 1]} : vector<256x4096xf32> to vector<256x128xf32>
    %max3A_53 = arith.maximumf %max3A_51, %slice3A_52 : vector<256x128xf32>
    %slice3A_54 = vector.extract_strided_slice %max3A_11 {offsets = [0, 2816], sizes = [256, 128], strides = [1, 1]} : vector<256x4096xf32> to vector<256x128xf32>
    %max3A_55 = arith.maximumf %max3A_53, %slice3A_54 : vector<256x128xf32>
    %slice3A_56 = vector.extract_strided_slice %max3A_11 {offsets = [0, 2944], sizes = [256, 128], strides = [1, 1]} : vector<256x4096xf32> to vector<256x128xf32>
    %max3A_57 = arith.maximumf %max3A_55, %slice3A_56 : vector<256x128xf32>
    %slice3A_58 = vector.extract_strided_slice %max3A_11 {offsets = [0, 3072], sizes = [256, 128], strides = [1, 1]} : vector<256x4096xf32> to vector<256x128xf32>
    %max3A_59 = arith.maximumf %max3A_57, %slice3A_58 : vector<256x128xf32>
    %slice3A_60 = vector.extract_strided_slice %max3A_11 {offsets = [0, 3200], sizes = [256, 128], strides = [1, 1]} : vector<256x4096xf32> to vector<256x128xf32>
    %max3A_61 = arith.maximumf %max3A_59, %slice3A_60 : vector<256x128xf32>
    %slice3A_62 = vector.extract_strided_slice %max3A_11 {offsets = [0, 3328], sizes = [256, 128], strides = [1, 1]} : vector<256x4096xf32> to vector<256x128xf32>
    %max3A_63 = arith.maximumf %max3A_61, %slice3A_62 : vector<256x128xf32>
    %slice3A_64 = vector.extract_strided_slice %max3A_11 {offsets = [0, 3456], sizes = [256, 128], strides = [1, 1]} : vector<256x4096xf32> to vector<256x128xf32>
    %max3A_65 = arith.maximumf %max3A_63, %slice3A_64 : vector<256x128xf32>
    %slice3A_66 = vector.extract_strided_slice %max3A_11 {offsets = [0, 3584], sizes = [256, 128], strides = [1, 1]} : vector<256x4096xf32> to vector<256x128xf32>
    %max3A_67 = arith.maximumf %max3A_65, %slice3A_66 : vector<256x128xf32>
    %slice3A_68 = vector.extract_strided_slice %max3A_11 {offsets = [0, 3712], sizes = [256, 128], strides = [1, 1]} : vector<256x4096xf32> to vector<256x128xf32>
    %max3A_69 = arith.maximumf %max3A_67, %slice3A_68 : vector<256x128xf32>
    %slice3A_70 = vector.extract_strided_slice %max3A_11 {offsets = [0, 3840], sizes = [256, 128], strides = [1, 1]} : vector<256x4096xf32> to vector<256x128xf32>
    %max3A_71 = arith.maximumf %max3A_69, %slice3A_70 : vector<256x128xf32>
    %slice3A_72 = vector.extract_strided_slice %max3A_11 {offsets = [0, 3968], sizes = [256, 128], strides = [1, 1]} : vector<256x4096xf32> to vector<256x128xf32>
    %max3A_73 = arith.maximumf %max3A_71, %slice3A_72 : vector<256x128xf32>
    %swap3A = arith.constant 0 : index
    %swap3A_74 = arith.constant 0 : index
    %swap3A_75 = vector.load %arg3[%swap3A, %swap3A_74] : memref<256x128xf32, #tpu.memory_space<vmem>>, vector<256x128xf32>
    tpu.vector_store %arg3[%swap3A, %swap3A_74], %max3A_73 {strides = array<i32>} : memref<256x128xf32, #tpu.memory_space<vmem>>, vector<256x128xf32>,
    return
  }
  func.func @transform_0(%arg0: i32) -> (i32, i32) {
    %c0_i32 = arith.constant 0 : i32
    %c0_i32_0 = arith.constant 0 : i32
    return %arg0, %c0_i32 : i32, i32
  }
  func.func @transform_1(%arg0: i32) -> (i32, i32) {
    %c0_i32 = arith.constant 0 : i32
    %c0_i32_0 = arith.constant 0 : i32
    %c0_i32_1 = arith.constant 0 : i32
    return %c0_i32, %c0_i32_0 : i32, i32
  }
  func.func @transform_2(%arg0: i32) -> (i32, i32) {
    %c0_i32 = arith.constant 0 : i32
    %c0_i32_0 = arith.constant 0 : i32
    return %arg0, %c0_i32 : i32, i32
  }
}

module attributes {stable_mosaic.version = 14 : i64} {
  func.func @_mm_body(%arg0: i32, %arg1: memref<1024x144xf32, #tpu.memory_space<vmem>>, %arg2: memref<1024x144xf32, #tpu.memory_space<vmem>>, %arg3: memref<144x128xf32, #tpu.memory_space<vmem>>, %arg4: memref<8x128xf32, #tpu.memory_space<vmem>>, %arg5: memref<1024x128xf32, #tpu.memory_space<vmem>>, %arg6: memref<1x2x128xf32, #tpu.memory_space<vmem>>) attributes {dimension_semantics = [#tpu.dimension_semantics<arbitrary>], iteration_bounds = array<i64: 16>, scalar_prefetch = 0 : i64, scratch_operands = 0 : i64, tpu.core_type = #tpu.core_type<tc>, window_params = [{transform_indices = @transform_0, window_bounds = array<i64: 1024, 144>}, {transform_indices = @transform_1, window_bounds = array<i64: 1024, 144>}, {pipeline_mode = #tpu.pipeline_mode<synchronous>, transform_indices = @transform_2, window_bounds = array<i64: 144, 128>}, {pipeline_mode = #tpu.pipeline_mode<synchronous>, transform_indices = @transform_3, window_bounds = array<i64: 8, 128>}, {transform_indices = @transform_4, window_bounds = array<i64: 1024, 128>}, {transform_indices = @transform_5, window_bounds = array<i64: 1, 2, 128>}]} {
    %get3A = arith.constant 0 : index
    %get3A_0 = arith.constant 0 : index
    %get3A_1 = vector.load %arg1[%get3A, %get3A_0] : memref<1024x144xf32, #tpu.memory_space<vmem>>, vector<1024x144xf32>
    %get3A_2 = arith.constant 0 : index
    %get3A_3 = arith.constant 0 : index
    %get3A_4 = vector.load %arg2[%get3A_2, %get3A_3] : memref<1024x144xf32, #tpu.memory_space<vmem>>, vector<1024x144xf32>
    %sub3A = arith.subf %get3A_1, %get3A_4 : vector<1024x144xf32>
    %get3A_5 = arith.constant 0 : index
    %get3A_6 = arith.constant 0 : index
    %get3A_7 = vector.load %arg3[%get3A_5, %get3A_6] : memref<144x128xf32, #tpu.memory_space<vmem>>, vector<144x128xf32>
    %dot_general3A = arith.constant dense<0.000000e+00> : vector<1024x128xf32>
    %dot_general3A_8 = tpu.matmul %sub3A, %get3A_7, %dot_general3A {dimension_numbers = #tpu.dot_dimension_numbers<[1], [0], [0], [1], [0, 0, 1, 1], [], []>, transpose_lhs_hint = false} : vector<1024x144xf32>, vector<144x128xf32>, vector<1024x128xf32> -> vector<1024x128xf32>
    %get3A_9 = arith.constant 0 : index
    %get3A_10 = arith.constant 0 : index
    %get3A_11 = vector.load %arg4[%get3A_9, %get3A_10] : memref<8x128xf32, #tpu.memory_space<vmem>>, vector<1x128xf32>
    %add3A = vector.broadcast %get3A_11 : vector<1x128xf32> to vector<1024x128xf32>
    %add3A_12 = arith.addf %dot_general3A_8, %add3A : vector<1024x128xf32>
    %swap3A = arith.constant 0 : index
    %swap3A_13 = arith.constant 0 : index
    %swap3A_14 = vector.load %arg5[%swap3A, %swap3A_13] : memref<1024x128xf32, #tpu.memory_space<vmem>>, vector<1024x128xf32>
    tpu.vector_store %arg5[%swap3A, %swap3A_13], %add3A_12 {strides = array<i32>} : memref<1024x128xf32, #tpu.memory_space<vmem>>, vector<1024x128xf32>,
    %reduce_sum3A = arith.constant dense<0.000000e+00> : vector<128xf32>
    %reduce_sum3A_15 = vector.multi_reduction <add>, %add3A_12, %reduce_sum3A [0] : vector<1024x128xf32> to vector<128xf32>
    %broadcast_in_dim3A = vector.shape_cast %reduce_sum3A_15 : vector<128xf32> to vector<1x128xf32>
    %swap3A_16 = arith.constant 0 : index
    %swap3A_17 = arith.constant 0 : index
    %swap3A_18 = arith.constant 0 : index
    %swap3A_19 = vector.load %arg6[%swap3A_16, %swap3A_17, %swap3A_18] : memref<1x2x128xf32, #tpu.memory_space<vmem>>, vector<1x1x128xf32>
    %swap3A_20 = vector.shape_cast %swap3A_19 : vector<1x1x128xf32> to vector<1x128xf32>
    %swap3A_21 = vector.shape_cast %broadcast_in_dim3A : vector<1x128xf32> to vector<1x1x128xf32>
    tpu.vector_store %arg6[%swap3A_16, %swap3A_17, %swap3A_18], %swap3A_21 {strides = array<i32>} : memref<1x2x128xf32, #tpu.memory_space<vmem>>, vector<1x1x128xf32>,
    %mul3A = arith.mulf %add3A_12, %add3A_12 : vector<1024x128xf32>
    %reduce_sum3A_22 = arith.constant dense<0.000000e+00> : vector<128xf32>
    %reduce_sum3A_23 = vector.multi_reduction <add>, %mul3A, %reduce_sum3A_22 [0] : vector<1024x128xf32> to vector<128xf32>
    %broadcast_in_dim3A_24 = vector.shape_cast %reduce_sum3A_23 : vector<128xf32> to vector<1x128xf32>
    %swap3A_25 = arith.constant 0 : index
    %swap3A_26 = arith.constant 1 : index
    %swap3A_27 = arith.constant 0 : index
    %swap3A_28 = vector.load %arg6[%swap3A_25, %swap3A_26, %swap3A_27] : memref<1x2x128xf32, #tpu.memory_space<vmem>>, vector<1x1x128xf32>
    %swap3A_29 = vector.shape_cast %swap3A_28 : vector<1x1x128xf32> to vector<1x128xf32>
    %swap3A_30 = vector.shape_cast %broadcast_in_dim3A_24 : vector<1x128xf32> to vector<1x1x128xf32>
    tpu.vector_store %arg6[%swap3A_25, %swap3A_26, %swap3A_27], %swap3A_30 {strides = array<i32>} : memref<1x2x128xf32, #tpu.memory_space<vmem>>, vector<1x1x128xf32>,
    return
  }
  func.func @transform_0(%arg0: i32) -> (i32, i32) {
    %c0_i32 = arith.constant 0 : i32
    %c0_i32_0 = arith.constant 0 : i32
    return %arg0, %c0_i32 : i32, i32
  }
  func.func @transform_1(%arg0: i32) -> (i32, i32) {
    %c0_i32 = arith.constant 0 : i32
    %c0_i32_0 = arith.constant 0 : i32
    return %arg0, %c0_i32 : i32, i32
  }
  func.func @transform_2(%arg0: i32) -> (i32, i32) {
    %c0_i32 = arith.constant 0 : i32
    %c0_i32_0 = arith.constant 0 : i32
    %c0_i32_1 = arith.constant 0 : i32
    return %c0_i32, %c0_i32_0 : i32, i32
  }
  func.func @transform_3(%arg0: i32) -> (i32, i32) {
    %c0_i32 = arith.constant 0 : i32
    %c0_i32_0 = arith.constant 0 : i32
    %c0_i32_1 = arith.constant 0 : i32
    return %c0_i32, %c0_i32_0 : i32, i32
  }
  func.func @transform_4(%arg0: i32) -> (i32, i32) {
    %c0_i32 = arith.constant 0 : i32
    %c0_i32_0 = arith.constant 0 : i32
    return %arg0, %c0_i32 : i32, i32
  }
  func.func @transform_5(%arg0: i32) -> (i32, i32, i32) {
    %c0_i32 = arith.constant 0 : i32
    %c0_i32_0 = arith.constant 0 : i32
    %c0_i32_1 = arith.constant 0 : i32
    return %arg0, %c0_i32, %c0_i32_0 : i32, i32, i32
  }
}

module attributes {stable_mosaic.version = 14 : i64} {
  func.func @_mm_body(%arg0: i32, %arg1: memref<1024x128xf32, #tpu.memory_space<vmem>>, %arg2: memref<8x128xf32, #tpu.memory_space<vmem>>, %arg3: memref<128x128xf32, #tpu.memory_space<vmem>>, %arg4: memref<8x128xf32, #tpu.memory_space<vmem>>, %arg5: memref<1024x128xf32, #tpu.memory_space<vmem>>, %arg6: memref<1x2x128xf32, #tpu.memory_space<vmem>>) attributes {dimension_semantics = [#tpu.dimension_semantics<arbitrary>], iteration_bounds = array<i64: 16>, scalar_prefetch = 0 : i64, scratch_operands = 0 : i64, tpu.core_type = #tpu.core_type<tc>, window_params = [{transform_indices = @transform_0, window_bounds = array<i64: 1024, 128>}, {pipeline_mode = #tpu.pipeline_mode<synchronous>, transform_indices = @transform_1, window_bounds = array<i64: 8, 128>}, {pipeline_mode = #tpu.pipeline_mode<synchronous>, transform_indices = @transform_2, window_bounds = array<i64: 128, 128>}, {pipeline_mode = #tpu.pipeline_mode<synchronous>, transform_indices = @transform_3, window_bounds = array<i64: 8, 128>}, {transform_indices = @transform_4, window_bounds = array<i64: 1024, 128>}, {transform_indices = @transform_5, window_bounds = array<i64: 1, 2, 128>}]} {
    %get3A = arith.constant 0 : index
    %get3A_0 = arith.constant 0 : index
    %get3A_1 = vector.load %arg1[%get3A, %get3A_0] : memref<1024x128xf32, #tpu.memory_space<vmem>>, vector<1024x128xf32>
    %get3A_2 = arith.constant 0 : index
    %get3A_3 = arith.constant 0 : index
    %get3A_4 = vector.load %arg2[%get3A_2, %get3A_3] : memref<8x128xf32, #tpu.memory_space<vmem>>, vector<1x128xf32>
    %mul3A = vector.broadcast %get3A_4 : vector<1x128xf32> to vector<1024x128xf32>
    %mul3A_5 = arith.mulf %get3A_1, %mul3A : vector<1024x128xf32>
    %get3A_6 = arith.constant 4 : index
    %get3A_7 = arith.constant 0 : index
    %get3A_8 = vector.load %arg2[%get3A_6, %get3A_7] : memref<8x128xf32, #tpu.memory_space<vmem>>, vector<1x128xf32>
    %add3A = vector.broadcast %get3A_8 : vector<1x128xf32> to vector<1024x128xf32>
    %add3A_9 = arith.addf %mul3A_5, %add3A : vector<1024x128xf32>
    %max3A = arith.constant 0.000000e+00 : f32
    %max3A_10 = vector.broadcast %max3A : f32 to vector<1024x128xf32>
    %max3A_11 = arith.maximumf %add3A_9, %max3A_10 : vector<1024x128xf32>
    %get3A_12 = arith.constant 0 : index
    %get3A_13 = arith.constant 0 : index
    %get3A_14 = vector.load %arg3[%get3A_12, %get3A_13] : memref<128x128xf32, #tpu.memory_space<vmem>>, vector<128x128xf32>
    %dot_general3A = arith.constant dense<0.000000e+00> : vector<1024x128xf32>
    %dot_general3A_15 = tpu.matmul %max3A_11, %get3A_14, %dot_general3A {dimension_numbers = #tpu.dot_dimension_numbers<[1], [0], [0], [1], [0, 0, 1, 1], [], []>, transpose_lhs_hint = false} : vector<1024x128xf32>, vector<128x128xf32>, vector<1024x128xf32> -> vector<1024x128xf32>
    %get3A_16 = arith.constant 0 : index
    %get3A_17 = arith.constant 0 : index
    %get3A_18 = vector.load %arg4[%get3A_16, %get3A_17] : memref<8x128xf32, #tpu.memory_space<vmem>>, vector<1x128xf32>
    %add3A_19 = vector.broadcast %get3A_18 : vector<1x128xf32> to vector<1024x128xf32>
    %add3A_20 = arith.addf %dot_general3A_15, %add3A_19 : vector<1024x128xf32>
    %swap3A = arith.constant 0 : index
    %swap3A_21 = arith.constant 0 : index
    %swap3A_22 = vector.load %arg5[%swap3A, %swap3A_21] : memref<1024x128xf32, #tpu.memory_space<vmem>>, vector<1024x128xf32>
    tpu.vector_store %arg5[%swap3A, %swap3A_21], %add3A_20 {strides = array<i32>} : memref<1024x128xf32, #tpu.memory_space<vmem>>, vector<1024x128xf32>,
    %reduce_sum3A = arith.constant dense<0.000000e+00> : vector<128xf32>
    %reduce_sum3A_23 = vector.multi_reduction <add>, %add3A_20, %reduce_sum3A [0] : vector<1024x128xf32> to vector<128xf32>
    %broadcast_in_dim3A = vector.shape_cast %reduce_sum3A_23 : vector<128xf32> to vector<1x128xf32>
    %swap3A_24 = arith.constant 0 : index
    %swap3A_25 = arith.constant 0 : index
    %swap3A_26 = arith.constant 0 : index
    %swap3A_27 = vector.load %arg6[%swap3A_24, %swap3A_25, %swap3A_26] : memref<1x2x128xf32, #tpu.memory_space<vmem>>, vector<1x1x128xf32>
    %swap3A_28 = vector.shape_cast %swap3A_27 : vector<1x1x128xf32> to vector<1x128xf32>
    %swap3A_29 = vector.shape_cast %broadcast_in_dim3A : vector<1x128xf32> to vector<1x1x128xf32>
    tpu.vector_store %arg6[%swap3A_24, %swap3A_25, %swap3A_26], %swap3A_29 {strides = array<i32>} : memref<1x2x128xf32, #tpu.memory_space<vmem>>, vector<1x1x128xf32>,
    %mul3A_30 = arith.mulf %add3A_20, %add3A_20 : vector<1024x128xf32>
    %reduce_sum3A_31 = arith.constant dense<0.000000e+00> : vector<128xf32>
    %reduce_sum3A_32 = vector.multi_reduction <add>, %mul3A_30, %reduce_sum3A_31 [0] : vector<1024x128xf32> to vector<128xf32>
    %broadcast_in_dim3A_33 = vector.shape_cast %reduce_sum3A_32 : vector<128xf32> to vector<1x128xf32>
    %swap3A_34 = arith.constant 0 : index
    %swap3A_35 = arith.constant 1 : index
    %swap3A_36 = arith.constant 0 : index
    %swap3A_37 = vector.load %arg6[%swap3A_34, %swap3A_35, %swap3A_36] : memref<1x2x128xf32, #tpu.memory_space<vmem>>, vector<1x1x128xf32>
    %swap3A_38 = vector.shape_cast %swap3A_37 : vector<1x1x128xf32> to vector<1x128xf32>
    %swap3A_39 = vector.shape_cast %broadcast_in_dim3A_33 : vector<1x128xf32> to vector<1x1x128xf32>
    tpu.vector_store %arg6[%swap3A_34, %swap3A_35, %swap3A_36], %swap3A_39 {strides = array<i32>} : memref<1x2x128xf32, #tpu.memory_space<vmem>>, vector<1x1x128xf32>,
    return
  }
  func.func @transform_0(%arg0: i32) -> (i32, i32) {
    %c0_i32 = arith.constant 0 : i32
    %c0_i32_0 = arith.constant 0 : i32
    return %arg0, %c0_i32 : i32, i32
  }
  func.func @transform_1(%arg0: i32) -> (i32, i32) {
    %c0_i32 = arith.constant 0 : i32
    %c0_i32_0 = arith.constant 0 : i32
    %c0_i32_1 = arith.constant 0 : i32
    return %c0_i32, %c0_i32_0 : i32, i32
  }
  func.func @transform_2(%arg0: i32) -> (i32, i32) {
    %c0_i32 = arith.constant 0 : i32
    %c0_i32_0 = arith.constant 0 : i32
    %c0_i32_1 = arith.constant 0 : i32
    return %c0_i32, %c0_i32_0 : i32, i32
  }
  func.func @transform_3(%arg0: i32) -> (i32, i32) {
    %c0_i32 = arith.constant 0 : i32
    %c0_i32_0 = arith.constant 0 : i32
    %c0_i32_1 = arith.constant 0 : i32
    return %c0_i32, %c0_i32_0 : i32, i32
  }
  func.func @transform_4(%arg0: i32) -> (i32, i32) {
    %c0_i32 = arith.constant 0 : i32
    %c0_i32_0 = arith.constant 0 : i32
    return %arg0, %c0_i32 : i32, i32
  }
  func.func @transform_5(%arg0: i32) -> (i32, i32, i32) {
    %c0_i32 = arith.constant 0 : i32
    %c0_i32_0 = arith.constant 0 : i32
    %c0_i32_1 = arith.constant 0 : i32
    return %arg0, %c0_i32, %c0_i32_0 : i32, i32, i32
  }
}

module attributes {stable_mosaic.version = 14 : i64} {
  func.func @_mm_body(%arg0: i32, %arg1: memref<1024x128xf32, #tpu.memory_space<vmem>>, %arg2: memref<8x128xf32, #tpu.memory_space<vmem>>, %arg3: memref<128x256xf32, #tpu.memory_space<vmem>>, %arg4: memref<8x256xf32, #tpu.memory_space<vmem>>, %arg5: memref<1024x256xf32, #tpu.memory_space<vmem>>, %arg6: memref<1x2x256xf32, #tpu.memory_space<vmem>>) attributes {dimension_semantics = [#tpu.dimension_semantics<arbitrary>], iteration_bounds = array<i64: 16>, scalar_prefetch = 0 : i64, scratch_operands = 0 : i64, tpu.core_type = #tpu.core_type<tc>, window_params = [{transform_indices = @transform_0, window_bounds = array<i64: 1024, 128>}, {pipeline_mode = #tpu.pipeline_mode<synchronous>, transform_indices = @transform_1, window_bounds = array<i64: 8, 128>}, {pipeline_mode = #tpu.pipeline_mode<synchronous>, transform_indices = @transform_2, window_bounds = array<i64: 128, 256>}, {pipeline_mode = #tpu.pipeline_mode<synchronous>, transform_indices = @transform_3, window_bounds = array<i64: 8, 256>}, {transform_indices = @transform_4, window_bounds = array<i64: 1024, 256>}, {transform_indices = @transform_5, window_bounds = array<i64: 1, 2, 256>}]} {
    %get3A = arith.constant 0 : index
    %get3A_0 = arith.constant 0 : index
    %get3A_1 = vector.load %arg1[%get3A, %get3A_0] : memref<1024x128xf32, #tpu.memory_space<vmem>>, vector<1024x128xf32>
    %get3A_2 = arith.constant 0 : index
    %get3A_3 = arith.constant 0 : index
    %get3A_4 = vector.load %arg2[%get3A_2, %get3A_3] : memref<8x128xf32, #tpu.memory_space<vmem>>, vector<1x128xf32>
    %mul3A = vector.broadcast %get3A_4 : vector<1x128xf32> to vector<1024x128xf32>
    %mul3A_5 = arith.mulf %get3A_1, %mul3A : vector<1024x128xf32>
    %get3A_6 = arith.constant 4 : index
    %get3A_7 = arith.constant 0 : index
    %get3A_8 = vector.load %arg2[%get3A_6, %get3A_7] : memref<8x128xf32, #tpu.memory_space<vmem>>, vector<1x128xf32>
    %add3A = vector.broadcast %get3A_8 : vector<1x128xf32> to vector<1024x128xf32>
    %add3A_9 = arith.addf %mul3A_5, %add3A : vector<1024x128xf32>
    %max3A = arith.constant 0.000000e+00 : f32
    %max3A_10 = vector.broadcast %max3A : f32 to vector<1024x128xf32>
    %max3A_11 = arith.maximumf %add3A_9, %max3A_10 : vector<1024x128xf32>
    %get3A_12 = arith.constant 0 : index
    %get3A_13 = arith.constant 0 : index
    %get3A_14 = vector.load %arg3[%get3A_12, %get3A_13] : memref<128x256xf32, #tpu.memory_space<vmem>>, vector<128x256xf32>
    %dot_general3A = arith.constant dense<0.000000e+00> : vector<1024x256xf32>
    %dot_general3A_15 = tpu.matmul %max3A_11, %get3A_14, %dot_general3A {dimension_numbers = #tpu.dot_dimension_numbers<[1], [0], [0], [1], [0, 0, 1, 1], [], []>, transpose_lhs_hint = false} : vector<1024x128xf32>, vector<128x256xf32>, vector<1024x256xf32> -> vector<1024x256xf32>
    %get3A_16 = arith.constant 0 : index
    %get3A_17 = arith.constant 0 : index
    %get3A_18 = vector.load %arg4[%get3A_16, %get3A_17] : memref<8x256xf32, #tpu.memory_space<vmem>>, vector<1x256xf32>
    %add3A_19 = vector.broadcast %get3A_18 : vector<1x256xf32> to vector<1024x256xf32>
    %add3A_20 = arith.addf %dot_general3A_15, %add3A_19 : vector<1024x256xf32>
    %swap3A = arith.constant 0 : index
    %swap3A_21 = arith.constant 0 : index
    %swap3A_22 = vector.load %arg5[%swap3A, %swap3A_21] : memref<1024x256xf32, #tpu.memory_space<vmem>>, vector<1024x256xf32>
    tpu.vector_store %arg5[%swap3A, %swap3A_21], %add3A_20 {strides = array<i32>} : memref<1024x256xf32, #tpu.memory_space<vmem>>, vector<1024x256xf32>,
    %reduce_sum3A = arith.constant dense<0.000000e+00> : vector<256xf32>
    %reduce_sum3A_23 = vector.multi_reduction <add>, %add3A_20, %reduce_sum3A [0] : vector<1024x256xf32> to vector<256xf32>
    %broadcast_in_dim3A = vector.shape_cast %reduce_sum3A_23 : vector<256xf32> to vector<1x256xf32>
    %swap3A_24 = arith.constant 0 : index
    %swap3A_25 = arith.constant 0 : index
    %swap3A_26 = arith.constant 0 : index
    %swap3A_27 = vector.load %arg6[%swap3A_24, %swap3A_25, %swap3A_26] : memref<1x2x256xf32, #tpu.memory_space<vmem>>, vector<1x1x256xf32>
    %swap3A_28 = vector.shape_cast %swap3A_27 : vector<1x1x256xf32> to vector<1x256xf32>
    %swap3A_29 = vector.shape_cast %broadcast_in_dim3A : vector<1x256xf32> to vector<1x1x256xf32>
    tpu.vector_store %arg6[%swap3A_24, %swap3A_25, %swap3A_26], %swap3A_29 {strides = array<i32>} : memref<1x2x256xf32, #tpu.memory_space<vmem>>, vector<1x1x256xf32>,
    %mul3A_30 = arith.mulf %add3A_20, %add3A_20 : vector<1024x256xf32>
    %reduce_sum3A_31 = arith.constant dense<0.000000e+00> : vector<256xf32>
    %reduce_sum3A_32 = vector.multi_reduction <add>, %mul3A_30, %reduce_sum3A_31 [0] : vector<1024x256xf32> to vector<256xf32>
    %broadcast_in_dim3A_33 = vector.shape_cast %reduce_sum3A_32 : vector<256xf32> to vector<1x256xf32>
    %swap3A_34 = arith.constant 0 : index
    %swap3A_35 = arith.constant 1 : index
    %swap3A_36 = arith.constant 0 : index
    %swap3A_37 = vector.load %arg6[%swap3A_34, %swap3A_35, %swap3A_36] : memref<1x2x256xf32, #tpu.memory_space<vmem>>, vector<1x1x256xf32>
    %swap3A_38 = vector.shape_cast %swap3A_37 : vector<1x1x256xf32> to vector<1x256xf32>
    %swap3A_39 = vector.shape_cast %broadcast_in_dim3A_33 : vector<1x256xf32> to vector<1x1x256xf32>
    tpu.vector_store %arg6[%swap3A_34, %swap3A_35, %swap3A_36], %swap3A_39 {strides = array<i32>} : memref<1x2x256xf32, #tpu.memory_space<vmem>>, vector<1x1x256xf32>,
    return
  }
  func.func @transform_0(%arg0: i32) -> (i32, i32) {
    %c0_i32 = arith.constant 0 : i32
    %c0_i32_0 = arith.constant 0 : i32
    return %arg0, %c0_i32 : i32, i32
  }
  func.func @transform_1(%arg0: i32) -> (i32, i32) {
    %c0_i32 = arith.constant 0 : i32
    %c0_i32_0 = arith.constant 0 : i32
    %c0_i32_1 = arith.constant 0 : i32
    return %c0_i32, %c0_i32_0 : i32, i32
  }
  func.func @transform_2(%arg0: i32) -> (i32, i32) {
    %c0_i32 = arith.constant 0 : i32
    %c0_i32_0 = arith.constant 0 : i32
    %c0_i32_1 = arith.constant 0 : i32
    return %c0_i32, %c0_i32_0 : i32, i32
  }
  func.func @transform_3(%arg0: i32) -> (i32, i32) {
    %c0_i32 = arith.constant 0 : i32
    %c0_i32_0 = arith.constant 0 : i32
    %c0_i32_1 = arith.constant 0 : i32
    return %c0_i32, %c0_i32_0 : i32, i32
  }
  func.func @transform_4(%arg0: i32) -> (i32, i32) {
    %c0_i32 = arith.constant 0 : i32
    %c0_i32_0 = arith.constant 0 : i32
    return %arg0, %c0_i32 : i32, i32
  }
  func.func @transform_5(%arg0: i32) -> (i32, i32, i32) {
    %c0_i32 = arith.constant 0 : i32
    %c0_i32_0 = arith.constant 0 : i32
    %c0_i32_1 = arith.constant 0 : i32
    return %arg0, %c0_i32, %c0_i32_0 : i32, i32, i32
  }
}

module attributes {stable_mosaic.version = 14 : i64} {
  func.func @_pool_body(%arg0: i32, %arg1: memref<256x8192xf32, #tpu.memory_space<vmem>>, %arg2: memref<8x8192xf32, #tpu.memory_space<vmem>>, %arg3: memref<256x256xf32, #tpu.memory_space<vmem>>) attributes {dimension_semantics = [#tpu.dimension_semantics<arbitrary>], iteration_bounds = array<i64: 2>, scalar_prefetch = 0 : i64, scratch_operands = 0 : i64, tpu.core_type = #tpu.core_type<tc>, window_params = [{transform_indices = @transform_0, window_bounds = array<i64: 256, 8192>}, {pipeline_mode = #tpu.pipeline_mode<synchronous>, transform_indices = @transform_1, window_bounds = array<i64: 8, 8192>}, {transform_indices = @transform_2, window_bounds = array<i64: 256, 256>}]} {
    %get3A = arith.constant 0 : index
    %get3A_0 = arith.constant 0 : index
    %get3A_1 = vector.load %arg1[%get3A, %get3A_0] : memref<256x8192xf32, #tpu.memory_space<vmem>>, vector<256x8192xf32>
    %get3A_2 = arith.constant 0 : index
    %get3A_3 = arith.constant 0 : index
    %get3A_4 = vector.load %arg2[%get3A_2, %get3A_3] : memref<8x8192xf32, #tpu.memory_space<vmem>>, vector<1x8192xf32>
    %mul3A = vector.broadcast %get3A_4 : vector<1x8192xf32> to vector<256x8192xf32>
    %mul3A_5 = arith.mulf %get3A_1, %mul3A : vector<256x8192xf32>
    %get3A_6 = arith.constant 4 : index
    %get3A_7 = arith.constant 0 : index
    %get3A_8 = vector.load %arg2[%get3A_6, %get3A_7] : memref<8x8192xf32, #tpu.memory_space<vmem>>, vector<1x8192xf32>
    %add3A = vector.broadcast %get3A_8 : vector<1x8192xf32> to vector<256x8192xf32>
    %add3A_9 = arith.addf %mul3A_5, %add3A : vector<256x8192xf32>
    %max3A = arith.constant 0.000000e+00 : f32
    %max3A_10 = vector.broadcast %max3A : f32 to vector<256x8192xf32>
    %max3A_11 = arith.maximumf %add3A_9, %max3A_10 : vector<256x8192xf32>
    %slice3A = vector.extract_strided_slice %max3A_11 {offsets = [0, 0], sizes = [256, 256], strides = [1, 1]} : vector<256x8192xf32> to vector<256x256xf32>
    %slice3A_12 = vector.extract_strided_slice %max3A_11 {offsets = [0, 256], sizes = [256, 256], strides = [1, 1]} : vector<256x8192xf32> to vector<256x256xf32>
    %max3A_13 = arith.maximumf %slice3A, %slice3A_12 : vector<256x256xf32>
    %slice3A_14 = vector.extract_strided_slice %max3A_11 {offsets = [0, 512], sizes = [256, 256], strides = [1, 1]} : vector<256x8192xf32> to vector<256x256xf32>
    %max3A_15 = arith.maximumf %max3A_13, %slice3A_14 : vector<256x256xf32>
    %slice3A_16 = vector.extract_strided_slice %max3A_11 {offsets = [0, 768], sizes = [256, 256], strides = [1, 1]} : vector<256x8192xf32> to vector<256x256xf32>
    %max3A_17 = arith.maximumf %max3A_15, %slice3A_16 : vector<256x256xf32>
    %slice3A_18 = vector.extract_strided_slice %max3A_11 {offsets = [0, 1024], sizes = [256, 256], strides = [1, 1]} : vector<256x8192xf32> to vector<256x256xf32>
    %max3A_19 = arith.maximumf %max3A_17, %slice3A_18 : vector<256x256xf32>
    %slice3A_20 = vector.extract_strided_slice %max3A_11 {offsets = [0, 1280], sizes = [256, 256], strides = [1, 1]} : vector<256x8192xf32> to vector<256x256xf32>
    %max3A_21 = arith.maximumf %max3A_19, %slice3A_20 : vector<256x256xf32>
    %slice3A_22 = vector.extract_strided_slice %max3A_11 {offsets = [0, 1536], sizes = [256, 256], strides = [1, 1]} : vector<256x8192xf32> to vector<256x256xf32>
    %max3A_23 = arith.maximumf %max3A_21, %slice3A_22 : vector<256x256xf32>
    %slice3A_24 = vector.extract_strided_slice %max3A_11 {offsets = [0, 1792], sizes = [256, 256], strides = [1, 1]} : vector<256x8192xf32> to vector<256x256xf32>
    %max3A_25 = arith.maximumf %max3A_23, %slice3A_24 : vector<256x256xf32>
    %slice3A_26 = vector.extract_strided_slice %max3A_11 {offsets = [0, 2048], sizes = [256, 256], strides = [1, 1]} : vector<256x8192xf32> to vector<256x256xf32>
    %max3A_27 = arith.maximumf %max3A_25, %slice3A_26 : vector<256x256xf32>
    %slice3A_28 = vector.extract_strided_slice %max3A_11 {offsets = [0, 2304], sizes = [256, 256], strides = [1, 1]} : vector<256x8192xf32> to vector<256x256xf32>
    %max3A_29 = arith.maximumf %max3A_27, %slice3A_28 : vector<256x256xf32>
    %slice3A_30 = vector.extract_strided_slice %max3A_11 {offsets = [0, 2560], sizes = [256, 256], strides = [1, 1]} : vector<256x8192xf32> to vector<256x256xf32>
    %max3A_31 = arith.maximumf %max3A_29, %slice3A_30 : vector<256x256xf32>
    %slice3A_32 = vector.extract_strided_slice %max3A_11 {offsets = [0, 2816], sizes = [256, 256], strides = [1, 1]} : vector<256x8192xf32> to vector<256x256xf32>
    %max3A_33 = arith.maximumf %max3A_31, %slice3A_32 : vector<256x256xf32>
    %slice3A_34 = vector.extract_strided_slice %max3A_11 {offsets = [0, 3072], sizes = [256, 256], strides = [1, 1]} : vector<256x8192xf32> to vector<256x256xf32>
    %max3A_35 = arith.maximumf %max3A_33, %slice3A_34 : vector<256x256xf32>
    %slice3A_36 = vector.extract_strided_slice %max3A_11 {offsets = [0, 3328], sizes = [256, 256], strides = [1, 1]} : vector<256x8192xf32> to vector<256x256xf32>
    %max3A_37 = arith.maximumf %max3A_35, %slice3A_36 : vector<256x256xf32>
    %slice3A_38 = vector.extract_strided_slice %max3A_11 {offsets = [0, 3584], sizes = [256, 256], strides = [1, 1]} : vector<256x8192xf32> to vector<256x256xf32>
    %max3A_39 = arith.maximumf %max3A_37, %slice3A_38 : vector<256x256xf32>
    %slice3A_40 = vector.extract_strided_slice %max3A_11 {offsets = [0, 3840], sizes = [256, 256], strides = [1, 1]} : vector<256x8192xf32> to vector<256x256xf32>
    %max3A_41 = arith.maximumf %max3A_39, %slice3A_40 : vector<256x256xf32>
    %slice3A_42 = vector.extract_strided_slice %max3A_11 {offsets = [0, 4096], sizes = [256, 256], strides = [1, 1]} : vector<256x8192xf32> to vector<256x256xf32>
    %max3A_43 = arith.maximumf %max3A_41, %slice3A_42 : vector<256x256xf32>
    %slice3A_44 = vector.extract_strided_slice %max3A_11 {offsets = [0, 4352], sizes = [256, 256], strides = [1, 1]} : vector<256x8192xf32> to vector<256x256xf32>
    %max3A_45 = arith.maximumf %max3A_43, %slice3A_44 : vector<256x256xf32>
    %slice3A_46 = vector.extract_strided_slice %max3A_11 {offsets = [0, 4608], sizes = [256, 256], strides = [1, 1]} : vector<256x8192xf32> to vector<256x256xf32>
    %max3A_47 = arith.maximumf %max3A_45, %slice3A_46 : vector<256x256xf32>
    %slice3A_48 = vector.extract_strided_slice %max3A_11 {offsets = [0, 4864], sizes = [256, 256], strides = [1, 1]} : vector<256x8192xf32> to vector<256x256xf32>
    %max3A_49 = arith.maximumf %max3A_47, %slice3A_48 : vector<256x256xf32>
    %slice3A_50 = vector.extract_strided_slice %max3A_11 {offsets = [0, 5120], sizes = [256, 256], strides = [1, 1]} : vector<256x8192xf32> to vector<256x256xf32>
    %max3A_51 = arith.maximumf %max3A_49, %slice3A_50 : vector<256x256xf32>
    %slice3A_52 = vector.extract_strided_slice %max3A_11 {offsets = [0, 5376], sizes = [256, 256], strides = [1, 1]} : vector<256x8192xf32> to vector<256x256xf32>
    %max3A_53 = arith.maximumf %max3A_51, %slice3A_52 : vector<256x256xf32>
    %slice3A_54 = vector.extract_strided_slice %max3A_11 {offsets = [0, 5632], sizes = [256, 256], strides = [1, 1]} : vector<256x8192xf32> to vector<256x256xf32>
    %max3A_55 = arith.maximumf %max3A_53, %slice3A_54 : vector<256x256xf32>
    %slice3A_56 = vector.extract_strided_slice %max3A_11 {offsets = [0, 5888], sizes = [256, 256], strides = [1, 1]} : vector<256x8192xf32> to vector<256x256xf32>
    %max3A_57 = arith.maximumf %max3A_55, %slice3A_56 : vector<256x256xf32>
    %slice3A_58 = vector.extract_strided_slice %max3A_11 {offsets = [0, 6144], sizes = [256, 256], strides = [1, 1]} : vector<256x8192xf32> to vector<256x256xf32>
    %max3A_59 = arith.maximumf %max3A_57, %slice3A_58 : vector<256x256xf32>
    %slice3A_60 = vector.extract_strided_slice %max3A_11 {offsets = [0, 6400], sizes = [256, 256], strides = [1, 1]} : vector<256x8192xf32> to vector<256x256xf32>
    %max3A_61 = arith.maximumf %max3A_59, %slice3A_60 : vector<256x256xf32>
    %slice3A_62 = vector.extract_strided_slice %max3A_11 {offsets = [0, 6656], sizes = [256, 256], strides = [1, 1]} : vector<256x8192xf32> to vector<256x256xf32>
    %max3A_63 = arith.maximumf %max3A_61, %slice3A_62 : vector<256x256xf32>
    %slice3A_64 = vector.extract_strided_slice %max3A_11 {offsets = [0, 6912], sizes = [256, 256], strides = [1, 1]} : vector<256x8192xf32> to vector<256x256xf32>
    %max3A_65 = arith.maximumf %max3A_63, %slice3A_64 : vector<256x256xf32>
    %slice3A_66 = vector.extract_strided_slice %max3A_11 {offsets = [0, 7168], sizes = [256, 256], strides = [1, 1]} : vector<256x8192xf32> to vector<256x256xf32>
    %max3A_67 = arith.maximumf %max3A_65, %slice3A_66 : vector<256x256xf32>
    %slice3A_68 = vector.extract_strided_slice %max3A_11 {offsets = [0, 7424], sizes = [256, 256], strides = [1, 1]} : vector<256x8192xf32> to vector<256x256xf32>
    %max3A_69 = arith.maximumf %max3A_67, %slice3A_68 : vector<256x256xf32>
    %slice3A_70 = vector.extract_strided_slice %max3A_11 {offsets = [0, 7680], sizes = [256, 256], strides = [1, 1]} : vector<256x8192xf32> to vector<256x256xf32>
    %max3A_71 = arith.maximumf %max3A_69, %slice3A_70 : vector<256x256xf32>
    %slice3A_72 = vector.extract_strided_slice %max3A_11 {offsets = [0, 7936], sizes = [256, 256], strides = [1, 1]} : vector<256x8192xf32> to vector<256x256xf32>
    %max3A_73 = arith.maximumf %max3A_71, %slice3A_72 : vector<256x256xf32>
    %swap3A = arith.constant 0 : index
    %swap3A_74 = arith.constant 0 : index
    %swap3A_75 = vector.load %arg3[%swap3A, %swap3A_74] : memref<256x256xf32, #tpu.memory_space<vmem>>, vector<256x256xf32>
    tpu.vector_store %arg3[%swap3A, %swap3A_74], %max3A_73 {strides = array<i32>} : memref<256x256xf32, #tpu.memory_space<vmem>>, vector<256x256xf32>,
    return
  }
  func.func @transform_0(%arg0: i32) -> (i32, i32) {
    %c0_i32 = arith.constant 0 : i32
    %c0_i32_0 = arith.constant 0 : i32
    return %arg0, %c0_i32 : i32, i32
  }
  func.func @transform_1(%arg0: i32) -> (i32, i32) {
    %c0_i32 = arith.constant 0 : i32
    %c0_i32_0 = arith.constant 0 : i32
    %c0_i32_1 = arith.constant 0 : i32
    return %c0_i32, %c0_i32_0 : i32, i32
  }
  func.func @transform_2(%arg0: i32) -> (i32, i32) {
    %c0_i32 = arith.constant 0 : i32
    %c0_i32_0 = arith.constant 0 : i32
    return %arg0, %c0_i32 : i32, i32
  }
}

module attributes {stable_mosaic.version = 14 : i64} {
  func.func @_mm_body(%arg0: i32, %arg1: memref<1024x272xf32, #tpu.memory_space<vmem>>, %arg2: memref<1024x272xf32, #tpu.memory_space<vmem>>, %arg3: memref<272x256xf32, #tpu.memory_space<vmem>>, %arg4: memref<8x256xf32, #tpu.memory_space<vmem>>, %arg5: memref<1024x256xf32, #tpu.memory_space<vmem>>, %arg6: memref<1x2x256xf32, #tpu.memory_space<vmem>>) attributes {dimension_semantics = [#tpu.dimension_semantics<arbitrary>], iteration_bounds = array<i64: 4>, scalar_prefetch = 0 : i64, scratch_operands = 0 : i64, tpu.core_type = #tpu.core_type<tc>, window_params = [{transform_indices = @transform_0, window_bounds = array<i64: 1024, 272>}, {transform_indices = @transform_1, window_bounds = array<i64: 1024, 272>}, {pipeline_mode = #tpu.pipeline_mode<synchronous>, transform_indices = @transform_2, window_bounds = array<i64: 272, 256>}, {pipeline_mode = #tpu.pipeline_mode<synchronous>, transform_indices = @transform_3, window_bounds = array<i64: 8, 256>}, {transform_indices = @transform_4, window_bounds = array<i64: 1024, 256>}, {transform_indices = @transform_5, window_bounds = array<i64: 1, 2, 256>}]} {
    %get3A = arith.constant 0 : index
    %get3A_0 = arith.constant 0 : index
    %get3A_1 = vector.load %arg1[%get3A, %get3A_0] : memref<1024x272xf32, #tpu.memory_space<vmem>>, vector<1024x272xf32>
    %get3A_2 = arith.constant 0 : index
    %get3A_3 = arith.constant 0 : index
    %get3A_4 = vector.load %arg2[%get3A_2, %get3A_3] : memref<1024x272xf32, #tpu.memory_space<vmem>>, vector<1024x272xf32>
    %sub3A = arith.subf %get3A_1, %get3A_4 : vector<1024x272xf32>
    %get3A_5 = arith.constant 0 : index
    %get3A_6 = arith.constant 0 : index
    %get3A_7 = vector.load %arg3[%get3A_5, %get3A_6] : memref<272x256xf32, #tpu.memory_space<vmem>>, vector<272x256xf32>
    %dot_general3A = arith.constant dense<0.000000e+00> : vector<1024x256xf32>
    %dot_general3A_8 = tpu.matmul %sub3A, %get3A_7, %dot_general3A {dimension_numbers = #tpu.dot_dimension_numbers<[1], [0], [0], [1], [0, 0, 1, 1], [], []>, transpose_lhs_hint = false} : vector<1024x272xf32>, vector<272x256xf32>, vector<1024x256xf32> -> vector<1024x256xf32>
    %get3A_9 = arith.constant 0 : index
    %get3A_10 = arith.constant 0 : index
    %get3A_11 = vector.load %arg4[%get3A_9, %get3A_10] : memref<8x256xf32, #tpu.memory_space<vmem>>, vector<1x256xf32>
    %add3A = vector.broadcast %get3A_11 : vector<1x256xf32> to vector<1024x256xf32>
    %add3A_12 = arith.addf %dot_general3A_8, %add3A : vector<1024x256xf32>
    %swap3A = arith.constant 0 : index
    %swap3A_13 = arith.constant 0 : index
    %swap3A_14 = vector.load %arg5[%swap3A, %swap3A_13] : memref<1024x256xf32, #tpu.memory_space<vmem>>, vector<1024x256xf32>
    tpu.vector_store %arg5[%swap3A, %swap3A_13], %add3A_12 {strides = array<i32>} : memref<1024x256xf32, #tpu.memory_space<vmem>>, vector<1024x256xf32>,
    %reduce_sum3A = arith.constant dense<0.000000e+00> : vector<256xf32>
    %reduce_sum3A_15 = vector.multi_reduction <add>, %add3A_12, %reduce_sum3A [0] : vector<1024x256xf32> to vector<256xf32>
    %broadcast_in_dim3A = vector.shape_cast %reduce_sum3A_15 : vector<256xf32> to vector<1x256xf32>
    %swap3A_16 = arith.constant 0 : index
    %swap3A_17 = arith.constant 0 : index
    %swap3A_18 = arith.constant 0 : index
    %swap3A_19 = vector.load %arg6[%swap3A_16, %swap3A_17, %swap3A_18] : memref<1x2x256xf32, #tpu.memory_space<vmem>>, vector<1x1x256xf32>
    %swap3A_20 = vector.shape_cast %swap3A_19 : vector<1x1x256xf32> to vector<1x256xf32>
    %swap3A_21 = vector.shape_cast %broadcast_in_dim3A : vector<1x256xf32> to vector<1x1x256xf32>
    tpu.vector_store %arg6[%swap3A_16, %swap3A_17, %swap3A_18], %swap3A_21 {strides = array<i32>} : memref<1x2x256xf32, #tpu.memory_space<vmem>>, vector<1x1x256xf32>,
    %mul3A = arith.mulf %add3A_12, %add3A_12 : vector<1024x256xf32>
    %reduce_sum3A_22 = arith.constant dense<0.000000e+00> : vector<256xf32>
    %reduce_sum3A_23 = vector.multi_reduction <add>, %mul3A, %reduce_sum3A_22 [0] : vector<1024x256xf32> to vector<256xf32>
    %broadcast_in_dim3A_24 = vector.shape_cast %reduce_sum3A_23 : vector<256xf32> to vector<1x256xf32>
    %swap3A_25 = arith.constant 0 : index
    %swap3A_26 = arith.constant 1 : index
    %swap3A_27 = arith.constant 0 : index
    %swap3A_28 = vector.load %arg6[%swap3A_25, %swap3A_26, %swap3A_27] : memref<1x2x256xf32, #tpu.memory_space<vmem>>, vector<1x1x256xf32>
    %swap3A_29 = vector.shape_cast %swap3A_28 : vector<1x1x256xf32> to vector<1x256xf32>
    %swap3A_30 = vector.shape_cast %broadcast_in_dim3A_24 : vector<1x256xf32> to vector<1x1x256xf32>
    tpu.vector_store %arg6[%swap3A_25, %swap3A_26, %swap3A_27], %swap3A_30 {strides = array<i32>} : memref<1x2x256xf32, #tpu.memory_space<vmem>>, vector<1x1x256xf32>,
    return
  }
  func.func @transform_0(%arg0: i32) -> (i32, i32) {
    %c0_i32 = arith.constant 0 : i32
    %c0_i32_0 = arith.constant 0 : i32
    return %arg0, %c0_i32 : i32, i32
  }
  func.func @transform_1(%arg0: i32) -> (i32, i32) {
    %c0_i32 = arith.constant 0 : i32
    %c0_i32_0 = arith.constant 0 : i32
    return %arg0, %c0_i32 : i32, i32
  }
  func.func @transform_2(%arg0: i32) -> (i32, i32) {
    %c0_i32 = arith.constant 0 : i32
    %c0_i32_0 = arith.constant 0 : i32
    %c0_i32_1 = arith.constant 0 : i32
    return %c0_i32, %c0_i32_0 : i32, i32
  }
  func.func @transform_3(%arg0: i32) -> (i32, i32) {
    %c0_i32 = arith.constant 0 : i32
    %c0_i32_0 = arith.constant 0 : i32
    %c0_i32_1 = arith.constant 0 : i32
    return %c0_i32, %c0_i32_0 : i32, i32
  }
  func.func @transform_4(%arg0: i32) -> (i32, i32) {
    %c0_i32 = arith.constant 0 : i32
    %c0_i32_0 = arith.constant 0 : i32
    return %arg0, %c0_i32 : i32, i32
  }
  func.func @transform_5(%arg0: i32) -> (i32, i32, i32) {
    %c0_i32 = arith.constant 0 : i32
    %c0_i32_0 = arith.constant 0 : i32
    %c0_i32_1 = arith.constant 0 : i32
    return %arg0, %c0_i32, %c0_i32_0 : i32, i32, i32
  }
}

module attributes {stable_mosaic.version = 14 : i64} {
  func.func @_mm_body(%arg0: i32, %arg1: memref<1024x256xf32, #tpu.memory_space<vmem>>, %arg2: memref<8x256xf32, #tpu.memory_space<vmem>>, %arg3: memref<256x256xf32, #tpu.memory_space<vmem>>, %arg4: memref<8x256xf32, #tpu.memory_space<vmem>>, %arg5: memref<1024x256xf32, #tpu.memory_space<vmem>>, %arg6: memref<1x2x256xf32, #tpu.memory_space<vmem>>) attributes {dimension_semantics = [#tpu.dimension_semantics<arbitrary>], iteration_bounds = array<i64: 4>, scalar_prefetch = 0 : i64, scratch_operands = 0 : i64, tpu.core_type = #tpu.core_type<tc>, window_params = [{transform_indices = @transform_0, window_bounds = array<i64: 1024, 256>}, {pipeline_mode = #tpu.pipeline_mode<synchronous>, transform_indices = @transform_1, window_bounds = array<i64: 8, 256>}, {pipeline_mode = #tpu.pipeline_mode<synchronous>, transform_indices = @transform_2, window_bounds = array<i64: 256, 256>}, {pipeline_mode = #tpu.pipeline_mode<synchronous>, transform_indices = @transform_3, window_bounds = array<i64: 8, 256>}, {transform_indices = @transform_4, window_bounds = array<i64: 1024, 256>}, {transform_indices = @transform_5, window_bounds = array<i64: 1, 2, 256>}]} {
    %get3A = arith.constant 0 : index
    %get3A_0 = arith.constant 0 : index
    %get3A_1 = vector.load %arg1[%get3A, %get3A_0] : memref<1024x256xf32, #tpu.memory_space<vmem>>, vector<1024x256xf32>
    %get3A_2 = arith.constant 0 : index
    %get3A_3 = arith.constant 0 : index
    %get3A_4 = vector.load %arg2[%get3A_2, %get3A_3] : memref<8x256xf32, #tpu.memory_space<vmem>>, vector<1x256xf32>
    %mul3A = vector.broadcast %get3A_4 : vector<1x256xf32> to vector<1024x256xf32>
    %mul3A_5 = arith.mulf %get3A_1, %mul3A : vector<1024x256xf32>
    %get3A_6 = arith.constant 4 : index
    %get3A_7 = arith.constant 0 : index
    %get3A_8 = vector.load %arg2[%get3A_6, %get3A_7] : memref<8x256xf32, #tpu.memory_space<vmem>>, vector<1x256xf32>
    %add3A = vector.broadcast %get3A_8 : vector<1x256xf32> to vector<1024x256xf32>
    %add3A_9 = arith.addf %mul3A_5, %add3A : vector<1024x256xf32>
    %max3A = arith.constant 0.000000e+00 : f32
    %max3A_10 = vector.broadcast %max3A : f32 to vector<1024x256xf32>
    %max3A_11 = arith.maximumf %add3A_9, %max3A_10 : vector<1024x256xf32>
    %get3A_12 = arith.constant 0 : index
    %get3A_13 = arith.constant 0 : index
    %get3A_14 = vector.load %arg3[%get3A_12, %get3A_13] : memref<256x256xf32, #tpu.memory_space<vmem>>, vector<256x256xf32>
    %dot_general3A = arith.constant dense<0.000000e+00> : vector<1024x256xf32>
    %dot_general3A_15 = tpu.matmul %max3A_11, %get3A_14, %dot_general3A {dimension_numbers = #tpu.dot_dimension_numbers<[1], [0], [0], [1], [0, 0, 1, 1], [], []>, transpose_lhs_hint = false} : vector<1024x256xf32>, vector<256x256xf32>, vector<1024x256xf32> -> vector<1024x256xf32>
    %get3A_16 = arith.constant 0 : index
    %get3A_17 = arith.constant 0 : index
    %get3A_18 = vector.load %arg4[%get3A_16, %get3A_17] : memref<8x256xf32, #tpu.memory_space<vmem>>, vector<1x256xf32>
    %add3A_19 = vector.broadcast %get3A_18 : vector<1x256xf32> to vector<1024x256xf32>
    %add3A_20 = arith.addf %dot_general3A_15, %add3A_19 : vector<1024x256xf32>
    %swap3A = arith.constant 0 : index
    %swap3A_21 = arith.constant 0 : index
    %swap3A_22 = vector.load %arg5[%swap3A, %swap3A_21] : memref<1024x256xf32, #tpu.memory_space<vmem>>, vector<1024x256xf32>
    tpu.vector_store %arg5[%swap3A, %swap3A_21], %add3A_20 {strides = array<i32>} : memref<1024x256xf32, #tpu.memory_space<vmem>>, vector<1024x256xf32>,
    %reduce_sum3A = arith.constant dense<0.000000e+00> : vector<256xf32>
    %reduce_sum3A_23 = vector.multi_reduction <add>, %add3A_20, %reduce_sum3A [0] : vector<1024x256xf32> to vector<256xf32>
    %broadcast_in_dim3A = vector.shape_cast %reduce_sum3A_23 : vector<256xf32> to vector<1x256xf32>
    %swap3A_24 = arith.constant 0 : index
    %swap3A_25 = arith.constant 0 : index
    %swap3A_26 = arith.constant 0 : index
    %swap3A_27 = vector.load %arg6[%swap3A_24, %swap3A_25, %swap3A_26] : memref<1x2x256xf32, #tpu.memory_space<vmem>>, vector<1x1x256xf32>
    %swap3A_28 = vector.shape_cast %swap3A_27 : vector<1x1x256xf32> to vector<1x256xf32>
    %swap3A_29 = vector.shape_cast %broadcast_in_dim3A : vector<1x256xf32> to vector<1x1x256xf32>
    tpu.vector_store %arg6[%swap3A_24, %swap3A_25, %swap3A_26], %swap3A_29 {strides = array<i32>} : memref<1x2x256xf32, #tpu.memory_space<vmem>>, vector<1x1x256xf32>,
    %mul3A_30 = arith.mulf %add3A_20, %add3A_20 : vector<1024x256xf32>
    %reduce_sum3A_31 = arith.constant dense<0.000000e+00> : vector<256xf32>
    %reduce_sum3A_32 = vector.multi_reduction <add>, %mul3A_30, %reduce_sum3A_31 [0] : vector<1024x256xf32> to vector<256xf32>
    %broadcast_in_dim3A_33 = vector.shape_cast %reduce_sum3A_32 : vector<256xf32> to vector<1x256xf32>
    %swap3A_34 = arith.constant 0 : index
    %swap3A_35 = arith.constant 1 : index
    %swap3A_36 = arith.constant 0 : index
    %swap3A_37 = vector.load %arg6[%swap3A_34, %swap3A_35, %swap3A_36] : memref<1x2x256xf32, #tpu.memory_space<vmem>>, vector<1x1x256xf32>
    %swap3A_38 = vector.shape_cast %swap3A_37 : vector<1x1x256xf32> to vector<1x256xf32>
    %swap3A_39 = vector.shape_cast %broadcast_in_dim3A_33 : vector<1x256xf32> to vector<1x1x256xf32>
    tpu.vector_store %arg6[%swap3A_34, %swap3A_35, %swap3A_36], %swap3A_39 {strides = array<i32>} : memref<1x2x256xf32, #tpu.memory_space<vmem>>, vector<1x1x256xf32>,
    return
  }
  func.func @transform_0(%arg0: i32) -> (i32, i32) {
    %c0_i32 = arith.constant 0 : i32
    %c0_i32_0 = arith.constant 0 : i32
    return %arg0, %c0_i32 : i32, i32
  }
  func.func @transform_1(%arg0: i32) -> (i32, i32) {
    %c0_i32 = arith.constant 0 : i32
    %c0_i32_0 = arith.constant 0 : i32
    %c0_i32_1 = arith.constant 0 : i32
    return %c0_i32, %c0_i32_0 : i32, i32
  }
  func.func @transform_2(%arg0: i32) -> (i32, i32) {
    %c0_i32 = arith.constant 0 : i32
    %c0_i32_0 = arith.constant 0 : i32
    %c0_i32_1 = arith.constant 0 : i32
    return %c0_i32, %c0_i32_0 : i32, i32
  }
  func.func @transform_3(%arg0: i32) -> (i32, i32) {
    %c0_i32 = arith.constant 0 : i32
    %c0_i32_0 = arith.constant 0 : i32
    %c0_i32_1 = arith.constant 0 : i32
    return %c0_i32, %c0_i32_0 : i32, i32
  }
  func.func @transform_4(%arg0: i32) -> (i32, i32) {
    %c0_i32 = arith.constant 0 : i32
    %c0_i32_0 = arith.constant 0 : i32
    return %arg0, %c0_i32 : i32, i32
  }
  func.func @transform_5(%arg0: i32) -> (i32, i32, i32) {
    %c0_i32 = arith.constant 0 : i32
    %c0_i32_0 = arith.constant 0 : i32
    %c0_i32_1 = arith.constant 0 : i32
    return %arg0, %c0_i32, %c0_i32_0 : i32, i32, i32
  }
}

module attributes {stable_mosaic.version = 14 : i64} {
  func.func @_mm_body(%arg0: i32, %arg1: memref<1024x256xf32, #tpu.memory_space<vmem>>, %arg2: memref<8x256xf32, #tpu.memory_space<vmem>>, %arg3: memref<256x512xf32, #tpu.memory_space<vmem>>, %arg4: memref<8x512xf32, #tpu.memory_space<vmem>>, %arg5: memref<1024x512xf32, #tpu.memory_space<vmem>>, %arg6: memref<1x2x512xf32, #tpu.memory_space<vmem>>) attributes {dimension_semantics = [#tpu.dimension_semantics<arbitrary>], iteration_bounds = array<i64: 4>, scalar_prefetch = 0 : i64, scratch_operands = 0 : i64, tpu.core_type = #tpu.core_type<tc>, window_params = [{transform_indices = @transform_0, window_bounds = array<i64: 1024, 256>}, {pipeline_mode = #tpu.pipeline_mode<synchronous>, transform_indices = @transform_1, window_bounds = array<i64: 8, 256>}, {pipeline_mode = #tpu.pipeline_mode<synchronous>, transform_indices = @transform_2, window_bounds = array<i64: 256, 512>}, {pipeline_mode = #tpu.pipeline_mode<synchronous>, transform_indices = @transform_3, window_bounds = array<i64: 8, 512>}, {transform_indices = @transform_4, window_bounds = array<i64: 1024, 512>}, {transform_indices = @transform_5, window_bounds = array<i64: 1, 2, 512>}]} {
    %get3A = arith.constant 0 : index
    %get3A_0 = arith.constant 0 : index
    %get3A_1 = vector.load %arg1[%get3A, %get3A_0] : memref<1024x256xf32, #tpu.memory_space<vmem>>, vector<1024x256xf32>
    %get3A_2 = arith.constant 0 : index
    %get3A_3 = arith.constant 0 : index
    %get3A_4 = vector.load %arg2[%get3A_2, %get3A_3] : memref<8x256xf32, #tpu.memory_space<vmem>>, vector<1x256xf32>
    %mul3A = vector.broadcast %get3A_4 : vector<1x256xf32> to vector<1024x256xf32>
    %mul3A_5 = arith.mulf %get3A_1, %mul3A : vector<1024x256xf32>
    %get3A_6 = arith.constant 4 : index
    %get3A_7 = arith.constant 0 : index
    %get3A_8 = vector.load %arg2[%get3A_6, %get3A_7] : memref<8x256xf32, #tpu.memory_space<vmem>>, vector<1x256xf32>
    %add3A = vector.broadcast %get3A_8 : vector<1x256xf32> to vector<1024x256xf32>
    %add3A_9 = arith.addf %mul3A_5, %add3A : vector<1024x256xf32>
    %max3A = arith.constant 0.000000e+00 : f32
    %max3A_10 = vector.broadcast %max3A : f32 to vector<1024x256xf32>
    %max3A_11 = arith.maximumf %add3A_9, %max3A_10 : vector<1024x256xf32>
    %get3A_12 = arith.constant 0 : index
    %get3A_13 = arith.constant 0 : index
    %get3A_14 = vector.load %arg3[%get3A_12, %get3A_13] : memref<256x512xf32, #tpu.memory_space<vmem>>, vector<256x512xf32>
    %dot_general3A = arith.constant dense<0.000000e+00> : vector<1024x512xf32>
    %dot_general3A_15 = tpu.matmul %max3A_11, %get3A_14, %dot_general3A {dimension_numbers = #tpu.dot_dimension_numbers<[1], [0], [0], [1], [0, 0, 1, 1], [], []>, transpose_lhs_hint = false} : vector<1024x256xf32>, vector<256x512xf32>, vector<1024x512xf32> -> vector<1024x512xf32>
    %get3A_16 = arith.constant 0 : index
    %get3A_17 = arith.constant 0 : index
    %get3A_18 = vector.load %arg4[%get3A_16, %get3A_17] : memref<8x512xf32, #tpu.memory_space<vmem>>, vector<1x512xf32>
    %add3A_19 = vector.broadcast %get3A_18 : vector<1x512xf32> to vector<1024x512xf32>
    %add3A_20 = arith.addf %dot_general3A_15, %add3A_19 : vector<1024x512xf32>
    %swap3A = arith.constant 0 : index
    %swap3A_21 = arith.constant 0 : index
    %swap3A_22 = vector.load %arg5[%swap3A, %swap3A_21] : memref<1024x512xf32, #tpu.memory_space<vmem>>, vector<1024x512xf32>
    tpu.vector_store %arg5[%swap3A, %swap3A_21], %add3A_20 {strides = array<i32>} : memref<1024x512xf32, #tpu.memory_space<vmem>>, vector<1024x512xf32>,
    %reduce_sum3A = arith.constant dense<0.000000e+00> : vector<512xf32>
    %reduce_sum3A_23 = vector.multi_reduction <add>, %add3A_20, %reduce_sum3A [0] : vector<1024x512xf32> to vector<512xf32>
    %broadcast_in_dim3A = vector.shape_cast %reduce_sum3A_23 : vector<512xf32> to vector<1x512xf32>
    %swap3A_24 = arith.constant 0 : index
    %swap3A_25 = arith.constant 0 : index
    %swap3A_26 = arith.constant 0 : index
    %swap3A_27 = vector.load %arg6[%swap3A_24, %swap3A_25, %swap3A_26] : memref<1x2x512xf32, #tpu.memory_space<vmem>>, vector<1x1x512xf32>
    %swap3A_28 = vector.shape_cast %swap3A_27 : vector<1x1x512xf32> to vector<1x512xf32>
    %swap3A_29 = vector.shape_cast %broadcast_in_dim3A : vector<1x512xf32> to vector<1x1x512xf32>
    tpu.vector_store %arg6[%swap3A_24, %swap3A_25, %swap3A_26], %swap3A_29 {strides = array<i32>} : memref<1x2x512xf32, #tpu.memory_space<vmem>>, vector<1x1x512xf32>,
    %mul3A_30 = arith.mulf %add3A_20, %add3A_20 : vector<1024x512xf32>
    %reduce_sum3A_31 = arith.constant dense<0.000000e+00> : vector<512xf32>
    %reduce_sum3A_32 = vector.multi_reduction <add>, %mul3A_30, %reduce_sum3A_31 [0] : vector<1024x512xf32> to vector<512xf32>
    %broadcast_in_dim3A_33 = vector.shape_cast %reduce_sum3A_32 : vector<512xf32> to vector<1x512xf32>
    %swap3A_34 = arith.constant 0 : index
    %swap3A_35 = arith.constant 1 : index
    %swap3A_36 = arith.constant 0 : index
    %swap3A_37 = vector.load %arg6[%swap3A_34, %swap3A_35, %swap3A_36] : memref<1x2x512xf32, #tpu.memory_space<vmem>>, vector<1x1x512xf32>
    %swap3A_38 = vector.shape_cast %swap3A_37 : vector<1x1x512xf32> to vector<1x512xf32>
    %swap3A_39 = vector.shape_cast %broadcast_in_dim3A_33 : vector<1x512xf32> to vector<1x1x512xf32>
    tpu.vector_store %arg6[%swap3A_34, %swap3A_35, %swap3A_36], %swap3A_39 {strides = array<i32>} : memref<1x2x512xf32, #tpu.memory_space<vmem>>, vector<1x1x512xf32>,
    return
  }
  func.func @transform_0(%arg0: i32) -> (i32, i32) {
    %c0_i32 = arith.constant 0 : i32
    %c0_i32_0 = arith.constant 0 : i32
    return %arg0, %c0_i32 : i32, i32
  }
  func.func @transform_1(%arg0: i32) -> (i32, i32) {
    %c0_i32 = arith.constant 0 : i32
    %c0_i32_0 = arith.constant 0 : i32
    %c0_i32_1 = arith.constant 0 : i32
    return %c0_i32, %c0_i32_0 : i32, i32
  }
  func.func @transform_2(%arg0: i32) -> (i32, i32) {
    %c0_i32 = arith.constant 0 : i32
    %c0_i32_0 = arith.constant 0 : i32
    %c0_i32_1 = arith.constant 0 : i32
    return %c0_i32, %c0_i32_0 : i32, i32
  }
  func.func @transform_3(%arg0: i32) -> (i32, i32) {
    %c0_i32 = arith.constant 0 : i32
    %c0_i32_0 = arith.constant 0 : i32
    %c0_i32_1 = arith.constant 0 : i32
    return %c0_i32, %c0_i32_0 : i32, i32
  }
  func.func @transform_4(%arg0: i32) -> (i32, i32) {
    %c0_i32 = arith.constant 0 : i32
    %c0_i32_0 = arith.constant 0 : i32
    return %arg0, %c0_i32 : i32, i32
  }
  func.func @transform_5(%arg0: i32) -> (i32, i32, i32) {
    %c0_i32 = arith.constant 0 : i32
    %c0_i32_0 = arith.constant 0 : i32
    %c0_i32_1 = arith.constant 0 : i32
    return %arg0, %c0_i32, %c0_i32_0 : i32, i32, i32
  }
}

module attributes {stable_mosaic.version = 14 : i64} {
  func.func @_pool_body(%arg0: i32, %arg1: memref<128x16384xf32, #tpu.memory_space<vmem>>, %arg2: memref<8x16384xf32, #tpu.memory_space<vmem>>, %arg3: memref<128x512xf32, #tpu.memory_space<vmem>>) attributes {dimension_semantics = [#tpu.dimension_semantics<arbitrary>], iteration_bounds = array<i64: 1>, scalar_prefetch = 0 : i64, scratch_operands = 0 : i64, tpu.core_type = #tpu.core_type<tc>, window_params = [{transform_indices = @transform_0, window_bounds = array<i64: 128, 16384>}, {pipeline_mode = #tpu.pipeline_mode<synchronous>, transform_indices = @transform_1, window_bounds = array<i64: 8, 16384>}, {transform_indices = @transform_2, window_bounds = array<i64: 128, 512>}]} {
    %get3A = arith.constant 0 : index
    %get3A_0 = arith.constant 0 : index
    %get3A_1 = vector.load %arg1[%get3A, %get3A_0] : memref<128x16384xf32, #tpu.memory_space<vmem>>, vector<128x16384xf32>
    %get3A_2 = arith.constant 0 : index
    %get3A_3 = arith.constant 0 : index
    %get3A_4 = vector.load %arg2[%get3A_2, %get3A_3] : memref<8x16384xf32, #tpu.memory_space<vmem>>, vector<1x16384xf32>
    %mul3A = vector.broadcast %get3A_4 : vector<1x16384xf32> to vector<128x16384xf32>
    %mul3A_5 = arith.mulf %get3A_1, %mul3A : vector<128x16384xf32>
    %get3A_6 = arith.constant 4 : index
    %get3A_7 = arith.constant 0 : index
    %get3A_8 = vector.load %arg2[%get3A_6, %get3A_7] : memref<8x16384xf32, #tpu.memory_space<vmem>>, vector<1x16384xf32>
    %add3A = vector.broadcast %get3A_8 : vector<1x16384xf32> to vector<128x16384xf32>
    %add3A_9 = arith.addf %mul3A_5, %add3A : vector<128x16384xf32>
    %max3A = arith.constant 0.000000e+00 : f32
    %max3A_10 = vector.broadcast %max3A : f32 to vector<128x16384xf32>
    %max3A_11 = arith.maximumf %add3A_9, %max3A_10 : vector<128x16384xf32>
    %slice3A = vector.extract_strided_slice %max3A_11 {offsets = [0, 0], sizes = [128, 512], strides = [1, 1]} : vector<128x16384xf32> to vector<128x512xf32>
    %slice3A_12 = vector.extract_strided_slice %max3A_11 {offsets = [0, 512], sizes = [128, 512], strides = [1, 1]} : vector<128x16384xf32> to vector<128x512xf32>
    %max3A_13 = arith.maximumf %slice3A, %slice3A_12 : vector<128x512xf32>
    %slice3A_14 = vector.extract_strided_slice %max3A_11 {offsets = [0, 1024], sizes = [128, 512], strides = [1, 1]} : vector<128x16384xf32> to vector<128x512xf32>
    %max3A_15 = arith.maximumf %max3A_13, %slice3A_14 : vector<128x512xf32>
    %slice3A_16 = vector.extract_strided_slice %max3A_11 {offsets = [0, 1536], sizes = [128, 512], strides = [1, 1]} : vector<128x16384xf32> to vector<128x512xf32>
    %max3A_17 = arith.maximumf %max3A_15, %slice3A_16 : vector<128x512xf32>
    %slice3A_18 = vector.extract_strided_slice %max3A_11 {offsets = [0, 2048], sizes = [128, 512], strides = [1, 1]} : vector<128x16384xf32> to vector<128x512xf32>
    %max3A_19 = arith.maximumf %max3A_17, %slice3A_18 : vector<128x512xf32>
    %slice3A_20 = vector.extract_strided_slice %max3A_11 {offsets = [0, 2560], sizes = [128, 512], strides = [1, 1]} : vector<128x16384xf32> to vector<128x512xf32>
    %max3A_21 = arith.maximumf %max3A_19, %slice3A_20 : vector<128x512xf32>
    %slice3A_22 = vector.extract_strided_slice %max3A_11 {offsets = [0, 3072], sizes = [128, 512], strides = [1, 1]} : vector<128x16384xf32> to vector<128x512xf32>
    %max3A_23 = arith.maximumf %max3A_21, %slice3A_22 : vector<128x512xf32>
    %slice3A_24 = vector.extract_strided_slice %max3A_11 {offsets = [0, 3584], sizes = [128, 512], strides = [1, 1]} : vector<128x16384xf32> to vector<128x512xf32>
    %max3A_25 = arith.maximumf %max3A_23, %slice3A_24 : vector<128x512xf32>
    %slice3A_26 = vector.extract_strided_slice %max3A_11 {offsets = [0, 4096], sizes = [128, 512], strides = [1, 1]} : vector<128x16384xf32> to vector<128x512xf32>
    %max3A_27 = arith.maximumf %max3A_25, %slice3A_26 : vector<128x512xf32>
    %slice3A_28 = vector.extract_strided_slice %max3A_11 {offsets = [0, 4608], sizes = [128, 512], strides = [1, 1]} : vector<128x16384xf32> to vector<128x512xf32>
    %max3A_29 = arith.maximumf %max3A_27, %slice3A_28 : vector<128x512xf32>
    %slice3A_30 = vector.extract_strided_slice %max3A_11 {offsets = [0, 5120], sizes = [128, 512], strides = [1, 1]} : vector<128x16384xf32> to vector<128x512xf32>
    %max3A_31 = arith.maximumf %max3A_29, %slice3A_30 : vector<128x512xf32>
    %slice3A_32 = vector.extract_strided_slice %max3A_11 {offsets = [0, 5632], sizes = [128, 512], strides = [1, 1]} : vector<128x16384xf32> to vector<128x512xf32>
    %max3A_33 = arith.maximumf %max3A_31, %slice3A_32 : vector<128x512xf32>
    %slice3A_34 = vector.extract_strided_slice %max3A_11 {offsets = [0, 6144], sizes = [128, 512], strides = [1, 1]} : vector<128x16384xf32> to vector<128x512xf32>
    %max3A_35 = arith.maximumf %max3A_33, %slice3A_34 : vector<128x512xf32>
    %slice3A_36 = vector.extract_strided_slice %max3A_11 {offsets = [0, 6656], sizes = [128, 512], strides = [1, 1]} : vector<128x16384xf32> to vector<128x512xf32>
    %max3A_37 = arith.maximumf %max3A_35, %slice3A_36 : vector<128x512xf32>
    %slice3A_38 = vector.extract_strided_slice %max3A_11 {offsets = [0, 7168], sizes = [128, 512], strides = [1, 1]} : vector<128x16384xf32> to vector<128x512xf32>
    %max3A_39 = arith.maximumf %max3A_37, %slice3A_38 : vector<128x512xf32>
    %slice3A_40 = vector.extract_strided_slice %max3A_11 {offsets = [0, 7680], sizes = [128, 512], strides = [1, 1]} : vector<128x16384xf32> to vector<128x512xf32>
    %max3A_41 = arith.maximumf %max3A_39, %slice3A_40 : vector<128x512xf32>
    %slice3A_42 = vector.extract_strided_slice %max3A_11 {offsets = [0, 8192], sizes = [128, 512], strides = [1, 1]} : vector<128x16384xf32> to vector<128x512xf32>
    %max3A_43 = arith.maximumf %max3A_41, %slice3A_42 : vector<128x512xf32>
    %slice3A_44 = vector.extract_strided_slice %max3A_11 {offsets = [0, 8704], sizes = [128, 512], strides = [1, 1]} : vector<128x16384xf32> to vector<128x512xf32>
    %max3A_45 = arith.maximumf %max3A_43, %slice3A_44 : vector<128x512xf32>
    %slice3A_46 = vector.extract_strided_slice %max3A_11 {offsets = [0, 9216], sizes = [128, 512], strides = [1, 1]} : vector<128x16384xf32> to vector<128x512xf32>
    %max3A_47 = arith.maximumf %max3A_45, %slice3A_46 : vector<128x512xf32>
    %slice3A_48 = vector.extract_strided_slice %max3A_11 {offsets = [0, 9728], sizes = [128, 512], strides = [1, 1]} : vector<128x16384xf32> to vector<128x512xf32>
    %max3A_49 = arith.maximumf %max3A_47, %slice3A_48 : vector<128x512xf32>
    %slice3A_50 = vector.extract_strided_slice %max3A_11 {offsets = [0, 10240], sizes = [128, 512], strides = [1, 1]} : vector<128x16384xf32> to vector<128x512xf32>
    %max3A_51 = arith.maximumf %max3A_49, %slice3A_50 : vector<128x512xf32>
    %slice3A_52 = vector.extract_strided_slice %max3A_11 {offsets = [0, 10752], sizes = [128, 512], strides = [1, 1]} : vector<128x16384xf32> to vector<128x512xf32>
    %max3A_53 = arith.maximumf %max3A_51, %slice3A_52 : vector<128x512xf32>
    %slice3A_54 = vector.extract_strided_slice %max3A_11 {offsets = [0, 11264], sizes = [128, 512], strides = [1, 1]} : vector<128x16384xf32> to vector<128x512xf32>
    %max3A_55 = arith.maximumf %max3A_53, %slice3A_54 : vector<128x512xf32>
    %slice3A_56 = vector.extract_strided_slice %max3A_11 {offsets = [0, 11776], sizes = [128, 512], strides = [1, 1]} : vector<128x16384xf32> to vector<128x512xf32>
    %max3A_57 = arith.maximumf %max3A_55, %slice3A_56 : vector<128x512xf32>
    %slice3A_58 = vector.extract_strided_slice %max3A_11 {offsets = [0, 12288], sizes = [128, 512], strides = [1, 1]} : vector<128x16384xf32> to vector<128x512xf32>
    %max3A_59 = arith.maximumf %max3A_57, %slice3A_58 : vector<128x512xf32>
    %slice3A_60 = vector.extract_strided_slice %max3A_11 {offsets = [0, 12800], sizes = [128, 512], strides = [1, 1]} : vector<128x16384xf32> to vector<128x512xf32>
    %max3A_61 = arith.maximumf %max3A_59, %slice3A_60 : vector<128x512xf32>
    %slice3A_62 = vector.extract_strided_slice %max3A_11 {offsets = [0, 13312], sizes = [128, 512], strides = [1, 1]} : vector<128x16384xf32> to vector<128x512xf32>
    %max3A_63 = arith.maximumf %max3A_61, %slice3A_62 : vector<128x512xf32>
    %slice3A_64 = vector.extract_strided_slice %max3A_11 {offsets = [0, 13824], sizes = [128, 512], strides = [1, 1]} : vector<128x16384xf32> to vector<128x512xf32>
    %max3A_65 = arith.maximumf %max3A_63, %slice3A_64 : vector<128x512xf32>
    %slice3A_66 = vector.extract_strided_slice %max3A_11 {offsets = [0, 14336], sizes = [128, 512], strides = [1, 1]} : vector<128x16384xf32> to vector<128x512xf32>
    %max3A_67 = arith.maximumf %max3A_65, %slice3A_66 : vector<128x512xf32>
    %slice3A_68 = vector.extract_strided_slice %max3A_11 {offsets = [0, 14848], sizes = [128, 512], strides = [1, 1]} : vector<128x16384xf32> to vector<128x512xf32>
    %max3A_69 = arith.maximumf %max3A_67, %slice3A_68 : vector<128x512xf32>
    %slice3A_70 = vector.extract_strided_slice %max3A_11 {offsets = [0, 15360], sizes = [128, 512], strides = [1, 1]} : vector<128x16384xf32> to vector<128x512xf32>
    %max3A_71 = arith.maximumf %max3A_69, %slice3A_70 : vector<128x512xf32>
    %slice3A_72 = vector.extract_strided_slice %max3A_11 {offsets = [0, 15872], sizes = [128, 512], strides = [1, 1]} : vector<128x16384xf32> to vector<128x512xf32>
    %max3A_73 = arith.maximumf %max3A_71, %slice3A_72 : vector<128x512xf32>
    %swap3A = arith.constant 0 : index
    %swap3A_74 = arith.constant 0 : index
    %swap3A_75 = vector.load %arg3[%swap3A, %swap3A_74] : memref<128x512xf32, #tpu.memory_space<vmem>>, vector<128x512xf32>
    tpu.vector_store %arg3[%swap3A, %swap3A_74], %max3A_73 {strides = array<i32>} : memref<128x512xf32, #tpu.memory_space<vmem>>, vector<128x512xf32>,
    return
  }
  func.func @transform_0(%arg0: i32) -> (i32, i32) {
    %c0_i32 = arith.constant 0 : i32
    %c0_i32_0 = arith.constant 0 : i32
    return %arg0, %c0_i32 : i32, i32
  }
  func.func @transform_1(%arg0: i32) -> (i32, i32) {
    %c0_i32 = arith.constant 0 : i32
    %c0_i32_0 = arith.constant 0 : i32
    %c0_i32_1 = arith.constant 0 : i32
    return %c0_i32, %c0_i32_0 : i32, i32
  }
  func.func @transform_2(%arg0: i32) -> (i32, i32) {
    %c0_i32 = arith.constant 0 : i32
    %c0_i32_0 = arith.constant 0 : i32
    return %arg0, %c0_i32 : i32, i32
  }
}

</mosaic_0001>

<sc_bundles>
// kernel: sparse-core-data-format-call.cloned.1.call-start
scs
called_computation_lowered:
.L_overlay_start_0:
0x0: {  	s1 =	sld [smem:$0x3FD9]  }
0x1: {  	s2 =	sld [smem:$0x3FFE];
	_ =	sdelay $0x1  }
0x2: {  	s3 =	srdreg.scid  }
0x3: {  	s0 =	sand.u32 $0x1, s3  }
0x4: {  	s17 =	sshll.u32 s0, $0xA;
	s1 =	sadd.s32 s2, s1  }
0x5: {  	s1 =	sadd.s32 s1, s17  }
0x6: {  	[smem:$0x3F97] =	sst s1  }
0x7: {  	_ = 	snop  }
0x8: {  	(tm) =	ssettm $0x1  }
0x9: {  	s18 =	sld [smem:$0x3FFB];
	_ =	sdelay $0x3  }
0xa: {  	_ =	strace s18  }
0xb: {  	s1 =	sld [smem:$0x3FFC];
	_ =	sdelay $0x3  }
0xc: {  	_ =	strace s1  }
0xd: {  	s1 =	sld [smem:$0x3FFD];
	_ =	sdelay $0x3  }
0xe: {  	_ =	strace s1  }
0xf: {  	_ =	strace $0x8FFFFFFF  }
0x10: {  	s19 =	sld [smem:$0x3FDB];
	_ =	sdelay $0x1  }
0x11: {  	s20 =	simm.s32 $_scs_section_size  }
0x12: {  	s4 =	simm.s32 $_size__tile_overlayer_lowered;
	s5 =	simm.s32 $_tile_overlayer_lowered  }
0x13: {  	s23 =	simm.s32 $0x1BFF;
	s22 =	sshll.u32 s5, $0x1;
	s1 =	sadd.s32 s20, s19  }
0x14: {  	s6 =	simm.s32 $0x0;
	s21 =	sshll.u32 s4, $0x1;
	s4 =	sadd.s32 s22, s1  }
0x15: {  	[timem:s6], [sflag:s23] =	dma.local [hbm:s4], s21  }
0x16: {  	_ =	swait.ge [sflag:s23], s21  }
0x17: {  	s2 =	ssub.s32 $0x0, s21;
	[sflag:s23] =	ssyncset.done $0x0  }
0x18: {  	[sflag:s23] =	ssyncadd.s32 s2;
	_ =	sdelay $0x1  }
0x19: {  	s24 =	simm.s32 $0x1B8B  }
0x1a: {  	_ =	swait.ge [sflag:s24], $0x1  }
0x1b: {  	[sflag:s24] =	ssyncset.done $0x0  }
0x1c: {  	s26 =	simm.s32 $0x1B8E;
	s25 =	sld [smem:$0x3FFE];
	[sflag:s24] =	ssyncadd.s32 $0xFFFFFFFF  }
0x1d: {  	s27 =	simm.s32 $execute0_lowered;
	[smem:$0x3FD2] =	sst s26  }
0x1e: {  	s4 =	sshll.u32 s27, $0x1;
	_ =	strace $0x80000046;
	[dreg:$0x1] =	wrdreg $0xFFFFFFFF  }
0x1f: {  	s28 =	simm.s32 $_size_execute0_lowered;
	s1 =	sadd.s32 s1, s4;
	[dreg:$0x0] =	wrdreg $0x0  }
0x20: {  	s4 =	sshll.u32 s28, $0x1;
	[dreg:$0x2] =	wrdreg s1  }
0x21: {  	[dreg:$0x3] =	wrdreg s4  }
0x22: {  	[dreg:$0x4] =	wrdreg $0xC0  }
0x23: {  	_ =	task [dreg:s6], $0x5FFFF  }
0x24: {  	[dreg:$0x1] =	wrdreg $0xFFFFFFFF  }
0x25: {  	[dreg:$0x0] =	wrdreg $0x60  }
0x26: {  	[dreg:$0x2] =	wrdreg s25  }
0x27: {  	[dreg:$0x3] =	wrdreg $0x9  }
0x28: {  	_ =	task.clear_ibuf [dreg:s6], $0x4FFFF;
	_ =	strace $0x90000046  }
0x29: {  	s29 =	simm.s32 $0x9;
	_ =	strace $0x80000048  }
0x2a: {  	_ =	swait.ge [sflag:s29], $0x1  }
0x2b: {  	[sflag:s29] =	ssyncadd.s32 $0xFFFFFFFF  }
0x2c: {  	_ =	strace $0x90000048  }
0x2d: {  	_ =	sfence  }
0x2e: {  	s30 =	sld [smem:$0x0];
	_ =	sdelay $0x2  }
0x2f: {  	s31 =	sshll.u32 s3, $0xD;
	s3 =	sshrl.u32 s3, $0x2  }
0x30: {  	s2 =	sand.u32 $0x4000, s31;
	s1 =	sadd.s32 s3, s30  }
0x31: {  	s0 =	sor.u32 s2, s0;
	s1 =	sshll.u32 s1, $0x11  }
0x32: {  	s0 =	sor.u32 s1, s0  }
0x33: {  	s0 =	sadd.s32 $0x8F2B, s0  }
0x34: {  	[sflag:s0] =	ssyncadd.remote.s32 $0x1  }
0x35: {  	_ =	sfence.sel $0xFFFF  }
0x36: {  	[dreg:$0x0] =	wrdreg $0xFFFFFFFF;
	(pc) =	sbr.abs _section_cstart, $3  }
0x37: {  	[dreg:$0x1] =	wrdreg $0xFFFFFFFF  }
0x38: {  	_ =	task.clear_ibuf [dreg:s6], $0x2FFFF;
	_ =	strace $0x9FFFFFFF  }
0x39: {  	(tm) =	ssettm $0x7FFFFFFF  }
tec
execute0_lowered:
.L_overlay_start_1:
0x0: {  	(tag) =	ssettag $0x1  }
0x1: {  	s0 =	srdreg.scid  }
0x2: {  	s1 =	sshll.u32 s0, $0x4  }
0x3: {  	s6 =	rddreg [dreg:$0x0];
	s0 =	stileid.u32;
	s1 =	sand.u32 $0x10, s1  }
0x4: {  	s5 =	simm.s32 $0x1;
	s31 =	simm.s32 $0x2;
	s1 =	sor.u32 s0, s1  }
0x5: {  	s13 =	simm.s32 $0x0;
	s8 =	simm.s32 $0x10000;
	s2 =	sshll.u32 s1, $0x7  }
0x6: {  	s12 =	simm.s32 $0x0;
	s9 =	simm.s32 $0x0;
	s3 =	ssub.s32 $0x2000, s2  }
0x7: {  	s11 =	simm.s32 $0x0;
	s1 =	rddreg [dreg:$0x1];
	s4 =	sand.u32 $0xF80, s3  }
.Ltmp0:
0x8: {  	_ =	strace $0x80000047;
	p0 =	sne.s32 s4, $0x0;
	(pc) =	sbr.rel .LBB1_1-.Ltmp0, $4  }
0x9: {  	s10 =	smov.u32 s2;
	s7 =	sshrl.u32 s3, $0xC;
	s5 =	simm.s32 @!p0 $0x0  }
0xa: {  	s3 =	sadd.s32 $0x110A00, s6;
	s4 =	simm.s32 $0x1;
	s5 =	sadd.s32 s5, s7  }
0xb: {  	s6 =	sadd.s32 $0x510A00, s6;
	[sflag:s4] =	ssyncpa.u1 $0x0;
	s5 =	sshll.u32 s5, $0x5  }
0xc: {  	p0 =	por $0x0, $0x0;
	[sflag:s31] =	ssyncpa.u1 $0x0;
	s7 =	sor.u32 $0x1, s5  }
.LBB1_4:
0xd: {  	v5 =	vld [tilespmem:s16+$0xFFFFFFD0]  }
0xe: {  	[tilespmem:s17+$0x2040 ss:$0x81] =	vst.msk $0xffff, v1;
	v58 =	vld [tilespmem:s16+$0xFFFFFFE0]  }
0xf: {  	[tilespmem:s17+$0x2850 ss:$0x81] =	vst.msk $0xffff, v2;
	v59 =	vld [tilespmem:s16+$0xFFFFFFF0]  }
0x10: {  	s18 =	sshra.s32 s18, $0x2;
	[tilespmem:s17+$0x3060 ss:$0x81] =	vst.msk $0xffff, v3;
	v60 =	vld [tilespmem:s16+$0x0]  }
0x11: {  	[tilespmem:s17+$0x0 ss:$0x81] =	vst.msk $0xffff, v0;
	v61 =	vld [tilespmem:s16+$0x10];
	s15 =	sadd.s32 s18, s15  }
0x12: {  	s26 =	sshll.u32 s13, $0xD;
	v62 =	vld [tilespmem:s16+$0x20];
	[tilespmem:s15+$0x3870 ss:$0x81] =	vst.msk $0xffff, v4  }
0x13: {  	s27 =	sand.u32 $0x78, s12;
	s19 =	sshll.u32 s12, $0x3;
	v63 =	vld [tilespmem:s16+$0xFFFFFFC0];
	s29 =	sshll.u32 s13, $0x7;
	[tilespmem:s15+$0x810 ss:$0x81] =	vst.msk $0xffff, v5  }
0x14: {  	s17 =	sand.u32 $0x1FF0000, s26;
	s28 =	sand.u32 $0x1FFFC00, s19;
	s19 =	sand.u32 $0x1C00, s19;
	[tilespmem:s15+$0x1020 ss:$0x81] =	vst.msk $0xffff, v58  }
0x15: {  	s13 =	sand.u32 $0x380, s29;
	s16 =	sadd.s32 s28, s17;
	s30 =	sor.u32 s27, s19;
	[tilespmem:s15+$0x1830 ss:$0x81] =	vst.msk $0xffff, v59  }
0x16: {  	s16 =	sand.u32 $0x1FFE000, s16;
	s13 =	sor.u32 s13, s30;
	[tilespmem:s15+$0x2040 ss:$0x81] =	vst.msk $0xffff, v60  }
0x17: {  	s31 =	sand.u32 $0x7, s12;
	s13 =	sor.u32 s16, s13;
	[tilespmem:s15+$0x2850 ss:$0x81] =	vst.msk $0xffff, v61  }
0x18: {  	s12 =	sshll.u32 s31, $0x12;
	[tilespmem:s15+$0x3060 ss:$0x81] =	vst.msk $0xffff, v62;
	s13 =	sshrl.u32 s13, $0x3  }
0x19: {  	s12 =	sor.u32 $0x400, s12;
	[tilespmem:s15+$0x0 ss:$0x81] =	vst.msk $0xffff, v63;
	s13 =	sadd.s32 s6, s13  }
0x1a: {  	[hbm4b:s13+s12] =	stream.strided.scatter [tilespmem:s14], [sflag:$0x2], $0x4000, s8, s12, $0x20;
	[tilespmem:$0x10100] =	vst v63  }
.LBB1_5:
0x1b: {  	s14 =	sadd.s32 $0x80, s9  }
0x1c: {  	s12 =	sadd.s32 $0x1000, s10;
	s16 =	smov.u32 s10;
	p2 =	sgt.s32 s14, $0xFFF  }
0x1d: {  	s16 =	smov.u32 @p2 s12  }
0x1e: {  	s14 =	simm.s32 @p2 $0x0;
	p2 =	sgt.s32 s16, $0x1FFF  }
0x1f: {  	s16 =	smov.u32 @p2 s2;
	p2 =	sne.s32 s11, s7  }
.Ltmp1:
0x20: {  	p1 =	slt.u32 s11, $0x2;
	(pc) =	sbr.rel @!p2 .LBB1_6-.Ltmp1, $4  }
0x21: {  	s15 =	simm.s32 @!p1 $0x2  }
0x22: {  	s13 =	smov.u32 s9;
	p0 =	por !p0, !p0;
	_ =	swait.ge @!p1 [sflag:s15], $0x4000  }
0x23: {  	s12 =	smov.u32 s10;
	[sflag:s15] =	ssyncset.done @!p1 $0x0;
	s9 =	smov.u32 s14  }
0x24: {  	s11 =	sadd.s32 $0x1, s11;
	[sflag:s15] =	ssyncadd.s32 @!p1 $0xFFFFC000;
	s10 =	smov.u32 s16  }
.LBB1_1:
0x25: {  	p1 =	sge.u32 s11, s5;
	s31 =	sadd.s32 $0xFFFFFFFF, s11  }
0x26: {  	s14 =	sand.u32 @!p1 $0x78, s9;
	s15 =	sshll.u32 @!p1 s10, $0xC;
	s16 =	sshll.u32 @!p1 s10, $0x7  }
0x27: {  	s17 =	sshll.u32 @!p1 s9, $0x3;
	s15 =	sand.u32 @!p1 $0x1FF8000, s15;
	s16 =	sand.u32 @!p1 $0x380, s16  }
0x28: {  	s15 =	sadd.s32 @!p1 s15, s17;
	s17 =	sand.u32 @!p1 $0xC00, s17;
	s14 =	sor.u32 @!p1 s16, s14  }
0x29: {  	s16 =	sxor.u32 @!p1 $0xFFFFFFFF, s11;
	s15 =	sand.u32 @!p1 $0x1FFF000, s15;
	s14 =	sor.u32 @!p1 s17, s14  }
0x2a: {  	s16 =	sshll.u32 @!p1 s16, $0xE;
	s14 =	sor.u32 @!p1 s15, s14;
	s15 =	sand.u32 @!p1 $0x7, s9  }
0x2b: {  	s17 =	simm.s32 @!p1 $0x8000;
	s14 =	sshrl.u32 @!p1 s14, $0x3;
	s15 =	sshll.u32 @!p1 s15, $0x12  }
0x2c: {  	s16 =	sand.u32 @!p1 $0x4000, s16;
	s14 =	sadd.s32 @!p1 s3, s14;
	s15 =	sor.u32 @!p1 $0x400, s15  }
0x2d: {  	[tilespmem:s16], [sflag:$0x1] =	stream.strided.gather @!p1 [hbm4b:s14+s15], $0x4000, s17, s15, $0x38;
	[tilespmem:$0x10100] =	vst v63  }
0x2e: {  	p1 =	sge.u32 s31, s5  }
.Ltmp2:
0x2f: {  	_ = 	snop;
	(pc) =	sbr.rel @p1 .LBB1_5-.Ltmp2, $1  }
0x30: {  	_ =	sdelay $0x3  }
0x31: {  	s14 =	simm.s32 $0x1  }
0x32: {  	_ =	swait.ge [sflag:s4], $0x4000;
	s14 =	simm.s32 @!p0 $0x0  }
0x33: {  	[sflag:s4] =	ssyncset.done $0x0;
	s15 =	sshll.u32 s14, $0xE  }
0x34: {  	[sflag:s4] =	ssyncadd.s32 $0xFFFFC000;
	s16 =	sor.u32 $0x40, s15  }
0x35: {  	s14 =	smul.u32 $0x10200, s14;
	v0 =	vld [tilespmem:s16+$0x30]  }
0x36: {  	v3 =	vld [tilespmem:s16+$0xFFFFFFD0]  }
0x37: {  	s14 =	sshrl.u32 s14, $0x2;
	v4 =	vld [tilespmem:s16+$0xFFFFFFE0]  }
0x38: {  	v5 =	vld [tilespmem:s16+$0xFFFFFFF0];
	s15 =	sor.u32 $0x8000, s14  }
0x39: {  	s31 =	sand.u32 $0x1, s11;
	v1 =	vld [tilespmem:s16+$0x0];
	s17 =	sadd.s32 $0x0, s15  }
0x3a: {  	v2 =	vld [tilespmem:s16+$0x10];
	s14 =	smul.u32 $0x10200, s31;
	[tilespmem:s17+$0x3870 ss:$0x81] =	vst.msk $0xffff, v0  }
0x3b: {  	[tilespmem:s17+$0x810 ss:$0x81] =	vst.msk $0xffff, v3;
	v3 =	vld [tilespmem:s16+$0x20]  }
0x3c: {  	s14 =	sshrl.u32 s14, $0x2;
	v0 =	vld [tilespmem:s16+$0xFFFFFFC0];
	[tilespmem:s17+$0x1020 ss:$0x81] =	vst.msk $0xffff, v4;
	s16 =	sadd.s32 $0x80, s16  }
0x3d: {  	s18 =	simm.s32 $0x4;
	s19 =	simm.s32 $0x8;
	s14 =	sor.u32 $0x8000, s14;
	[tilespmem:s17+$0x1830 ss:$0x81] =	vst.msk $0xffff, v5;
	v4 =	vld [tilespmem:s16+$0x30]  }
.LBB1_3:
0x3e: {  	p1 =	sne.s32 s19, $0x1FC;
	v5 =	vld [tilespmem:s16+$0xFFFFFFD0];
	[tilespmem:s17+$0x2040 ss:$0x81] =	vst.msk $0xffff, v1  }
0x3f: {  	v6 =	vld [tilespmem:s16+$0xFFFFFFE0];
	[tilespmem:s17+$0x2850 ss:$0x81] =	vst.msk $0xffff, v2  }
0x40: {  	s20 =	sshra.s32 s18, $0x2;
	s18 =	smov.u32 s19;
	v7 =	vld [tilespmem:s16+$0xFFFFFFF0];
	[tilespmem:s17+$0x3060 ss:$0x81] =	vst.msk $0xffff, v3  }
.Ltmp3:
0x41: {  	v1 =	vld [tilespmem:s16+$0x0];
	[tilespmem:s17+$0x0 ss:$0x81] =	vst.msk $0xffff, v0;
	s17 =	sadd.s32 s20, s15;
	(pc) =	sbr.rel @p1 .LBB1_3-.Ltmp3, $4  }
0x42: {  	v2 =	vld [tilespmem:s16+$0x10];
	[tilespmem:s17+$0x3870 ss:$0x81] =	vst.msk $0xffff, v4  }
0x43: {  	[tilespmem:s17+$0x810 ss:$0x81] =	vst.msk $0xffff, v5;
	v3 =	vld [tilespmem:s16+$0x20]  }
0x44: {  	v0 =	vld [tilespmem:s16+$0xFFFFFFC0];
	[tilespmem:s17+$0x1020 ss:$0x81] =	vst.msk $0xffff, v6;
	s16 =	sadd.s32 $0x80, s16  }
0x45: {  	s19 =	sadd.s32 $0x4, s19;
	v4 =	vld [tilespmem:s16+$0x30];
	[tilespmem:s17+$0x1830 ss:$0x81] =	vst.msk $0xffff, v7  }
.Ltmp4:
0x46: {  	_ = 	snop;
	(pc) =	sbr.rel .LBB1_4-.Ltmp4, $1  }
0x47: {  	_ =	sdelay $0x3  }
.LBB1_6:
0x48: {  	_ =	sfence.sel $0x180000  }
0x49: {  	s2 =	simm.s32 $0x1;
	[bflag:$0x0] =	sbarrier.arrive $0xFFFF  }
0x4a: {  	s31 =	simm.s32 $0x2;
	[sflag:s2] =	ssyncpa.u1 $0x1  }
0x4b: {  	[sflag:s31] =	ssyncpa.u1 $0x1  }
0x4c: {  	p0 =	sne.s32 s0, $0x0;
	_ =	strace $0x90000047  }
0x4d: {  	s0 =	sadd.s32 @!p0 $0x100000, s1;
	[bflag:$0x2] =	sbarrier.arrive $0xFFFF  }
0x4e: {  	[sflag:s0] =	ssyncadd.tile.s32 @!p0 $0x1;
	_ =	shalt  }
.Lfunc_end1:
_tile_overlayer_lowered:
.L_overlay_start_2:
0x4f: {  	(tag) =	ssettag $0x2  }
0x50: {  	s0 =	rddreg [dreg:$0x0];
	s2 =	stileid.u32  }
0x51: {  	s1 =	rddreg [dreg:$0x1];
	p0 =	sne.s32 s2, $0x0  }
0x52: {  	s3 =	rddreg [dreg:$0x2];
	[bflag:$0x3] =	sbarrier.arrive $0xFFFF;
	s2 =	simm.s32 @!p0 $0x1C01  }
0x53: {  	[timem:s3], [sflag:s2] =	dma.local @!p0 [hbm:s0], s1  }
0x54: {  	s0 =	simm.s32 @!p0 $0x1  }
0x55: {  	_ =	swait.ge @!p0 [sflag:s0], s1  }
0x56: {  	s1 =	ssub.s32 @!p0 $0x0, s1;
	[sflag:s0] =	ssyncset.done @!p0 $0x0  }
0x57: {  	[sflag:s0] =	ssyncadd.s32 @!p0 s1  }
0x58: {  	[bflag:$0x3] =	sbarrier.arrive $0xFFFF  }
0x59: {  	_ =	shalt  }

</sc_bundles>
